<compile_context>
chip_gen: v7x
topology: tpu7x:2x2x1
jax: 0.10.2.dev20260603
libtpu: 0.0.44.dev20260713+nightly
codegen_flags: <defaults>
</compile_context>

<pallas_src>
import jax
import jax.numpy as jnp
from jax import lax
from jax.experimental import pallas as pl
from jax.experimental.pallas import tpu as pltpu
from jax.experimental.pallas import tpu_sc as plsc

NC = 2
NS = 16
NW = NC * NS
L = 16

N_ITEMS_PAD = 1_015_808


def _popularity_kernel(nnz, n_test, train_chunks, test_chunks):
    per_tile = nnz // NW
    chunk = per_tile // train_chunks
    assert per_tile * NW == nnz and chunk * train_chunks == per_tile
    assert chunk % 8 == 0
    slc = N_ITEMS_PAD // NS
    piece = slc // 8
    assert piece % (8 * L) == 0
    t_per_tile = n_test // NS
    t_chunk = t_per_tile // test_chunks
    assert t_per_tile * NS == n_test and t_chunk * test_chunks == t_per_tile
    assert t_chunk % 8 == 0

    mesh = plsc.VectorSubcoreMesh(core_axis_name="c", subcore_axis_name="s")

    def body(items_hbm, vals_hbm, tests_hbm, g0_hbm, g1_hbm,
             score_sh, zb, ib0, ib1, vb0, vb1, idx0, idx1, gb,
             isem0, isem1, vsem0, vsem1, zsem, tsem0, tsem1):
        c = lax.axis_index("c")
        s = lax.axis_index("s")
        wid = c * NS + s
        ibs, vbs = (ib0, ib1), (vb0, vb1)
        isems, vsems = (isem0, isem1), (vsem0, vsem1)
        idxs, tsems = (idx0, idx1), (tsem0, tsem1)

        base = wid * per_tile
        tbase = s * t_per_tile

        def start_train(k, b):
            pltpu.async_copy(
                items_hbm.at[pl.ds(base + k * chunk, chunk)], ibs[b], isems[b])
            pltpu.async_copy(
                vals_hbm.at[pl.ds(base + k * chunk, chunk)], vbs[b], vsems[b])

        def wait_train(b):
            pltpu.make_async_copy(
                items_hbm.at[pl.ds(0, chunk)], ibs[b], isems[b]).wait()
            pltpu.make_async_copy(
                vals_hbm.at[pl.ds(0, chunk)], vbs[b], vsems[b]).wait()

        def start_idx(k, b):
            pltpu.async_copy(
                tests_hbm.at[pl.ds(tbase + k * t_chunk, t_chunk)],
                idxs[b], tsems[b])

        def wait_idx(b):
            pltpu.make_async_copy(
                tests_hbm.at[pl.ds(0, t_chunk)], idxs[b], tsems[b]).wait()

        def zero_body(i, carry):
            for u in range(8):
                zb[pl.ds((i * 8 + u) * L, L)] = jnp.zeros((L,), jnp.float32)
            return carry

        start_train(0, 0)
        start_train(1, 1)
        start_idx(0, 0)
        lax.fori_loop(0, piece // (8 * L), zero_body, 0)
        fills = [
            pltpu.async_copy(
                zb, score_sh.at[pl.ds(s * slc + i * piece, piece)], zsem)
            for i in range(8)
        ]
        for f in fills:
            f.wait()
        plsc.subcore_barrier()

        def train_pair(k2, carry):
            for b in (0, 1):
                k = k2 * 2 + b
                wait_train(b)
                pltpu.sync_copy(vbs[b], score_sh.at[ibs[b]], add=True)

                @pl.when(k + 2 < train_chunks)
                def _():
                    start_train(k + 2, b)

            return carry

        lax.fori_loop(0, train_chunks // 2, train_pair, 0)
        plsc.subcore_barrier()

        def gather_pair(k2, carry):
            for b in (0, 1):
                k = k2 * 2 + b

                @pl.when(k + 1 < test_chunks)
                def _():
                    start_idx(k + 1, 1 - b)

                wait_idx(b)
                pltpu.sync_copy(score_sh.at[idxs[b]], gb)
                off = tbase + k * t_chunk

                @pl.when(c == 0)
                def _():
                    pltpu.sync_copy(gb, g0_hbm.at[pl.ds(off, t_chunk)])

                @pl.when(c == 1)
                def _():
                    pltpu.sync_copy(gb, g1_hbm.at[pl.ds(off, t_chunk)])

            return carry

        lax.fori_loop(0, test_chunks // 2, gather_pair, 0)

    return pl.kernel(
        body,
        out_type=(jax.ShapeDtypeStruct((n_test,), jnp.float32),
                  jax.ShapeDtypeStruct((n_test,), jnp.float32)),
        mesh=mesh,
        scratch_types=[
            pltpu.VMEM_SHARED((N_ITEMS_PAD,), jnp.float32),
            pltpu.VMEM((piece,), jnp.float32),
            pltpu.VMEM((chunk,), jnp.int32),
            pltpu.VMEM((chunk,), jnp.int32),
            pltpu.VMEM((chunk,), jnp.float32),
            pltpu.VMEM((chunk,), jnp.float32),
            pltpu.VMEM((t_chunk,), jnp.int32),
            pltpu.VMEM((t_chunk,), jnp.int32),
            pltpu.VMEM((t_chunk,), jnp.float32),
            pltpu.SemaphoreType.DMA,
            pltpu.SemaphoreType.DMA,
            pltpu.SemaphoreType.DMA,
            pltpu.SemaphoreType.DMA,
            pltpu.SemaphoreType.DMA,
            pltpu.SemaphoreType.DMA,
            pltpu.SemaphoreType.DMA,
        ],
    )


def _combine_kernel_tc(n_users, n_t):
    n_test = n_users * n_t

    def body(g0_hbm, g1_hbm, out_ref, b0, b1, sem0, sem1):
        cp0 = pltpu.make_async_copy(g0_hbm, b0, sem0)
        cp1 = pltpu.make_async_copy(g1_hbm, b1, sem1)
        cp0.start()
        cp1.start()
        cp0.wait()
        cp1.wait()
        out_ref[...] = (b0[...] + b1[...]).reshape(n_t, n_users)

    return pl.pallas_call(
        body,
        in_specs=[pl.BlockSpec(memory_space=pl.ANY),
                  pl.BlockSpec(memory_space=pl.ANY)],
        out_specs=pl.BlockSpec((n_t, n_users), lambda: (0, 0)),
        out_shape=jax.ShapeDtypeStruct((n_t, n_users), jnp.float32),
        scratch_shapes=[
            pltpu.VMEM((n_test,), jnp.float32),
            pltpu.VMEM((n_test,), jnp.float32),
            pltpu.SemaphoreType.DMA,
            pltpu.SemaphoreType.DMA,
        ],
    )


def kernel(train_items, train_values, test_items):
    nnz = train_items.shape[0]
    n_users, n_test_per_user = test_items.shape
    n_test = n_users * n_test_per_user

    items = train_items.astype(jnp.int32)
    tests = test_items.T.reshape(-1).astype(jnp.int32)

    g0, g1 = _popularity_kernel(nnz, n_test, train_chunks=16, test_chunks=8)(
        items, train_values, tests)
    out = _combine_kernel_tc(n_users, n_test_per_user)(g0, g1)
    return out.T

# --- scband reference (transcript-rebuilt; emitter-appended) ---
"""Pipeline reference for scband-popularity-59296318488906 (READ-ONLY COPY).

The authoritative reference and input builder live on the scoring server;
editing this copy changes nothing except your own understanding.
"""

import jax, jax.numpy as jnp
import numpy as np

N_ITEMS = 1000000
N_USERS = 16384
HIST_LEN = 200
N_TEST = 50
NNZ = N_USERS * HIST_LEN


def setup_inputs(seed: int = 0) -> dict:
    key = jax.random.key(seed)
    k1, k2, k3 = jax.random.split(key, 3)
    train_items = jax.random.randint(k1, (NNZ,), 0, N_ITEMS, dtype=jnp.int64) if jax.config.jax_enable_x64 else jax.random.randint(k1, (NNZ,), 0, N_ITEMS).astype(jnp.int32)
    train_values = jax.random.uniform(k2, (NNZ,), dtype=jnp.float32)
    test_items = jax.random.randint(k3, (N_USERS, N_TEST), 0, N_ITEMS).astype(jnp.int32)
    return {"train_items": train_items, "train_values": train_values, "test_items": test_items}


def reference(train_items, train_values, test_items):
    # score = dm.train_sparse.to_dense().sum(dim=0): per-item popularity via scatter-add
    score = jnp.zeros((N_ITEMS,), dtype=jnp.float32).at[train_items].add(train_values)
    # for each user, gather scores of that user's test items (vectorized over the python loop)
    test_scores = jnp.take(score, test_items, axis=0)  # [N_USERS, N_TEST]
    return test_scores

if __name__ == "__main__":
    import jax
    _d = setup_inputs()
    print(jax.jit(kernel)(*tuple(_d.values())))

</pallas_src>

<mosaic_0001>
#map = affine_map<(d0, d1) -> (0)>
module attributes {stable_mosaic.version = 14 : i64} {
  func.func @body(%arg0: i32, %arg1: i32, %arg2: memref<3276800xi32, #tpu.memory_space<hbm>>, %arg3: memref<3276800xf32, #tpu.memory_space<hbm>>, %arg4: memref<819200xi32, #tpu.memory_space<hbm>>, %arg5: memref<819200xf32, #tpu.memory_space<hbm>>, %arg6: memref<819200xf32, #tpu.memory_space<hbm>>, %arg7: memref<1015808xf32, #tpu.memory_space<vmem_shared>>, %arg8: memref<7936xf32, #tpu.memory_space<vmem>>, %arg9: memref<6400xi32, #tpu.memory_space<vmem>>, %arg10: memref<6400xi32, #tpu.memory_space<vmem>>, %arg11: memref<6400xf32, #tpu.memory_space<vmem>>, %arg12: memref<6400xf32, #tpu.memory_space<vmem>>, %arg13: memref<6400xi32, #tpu.memory_space<vmem>>, %arg14: memref<6400xi32, #tpu.memory_space<vmem>>, %arg15: memref<6400xf32, #tpu.memory_space<vmem>>, %arg16: memref<!tpu.dma_semaphore, #tpu.memory_space<semaphore_mem>>, %arg17: memref<!tpu.dma_semaphore, #tpu.memory_space<semaphore_mem>>, %arg18: memref<!tpu.dma_semaphore, #tpu.memory_space<semaphore_mem>>, %arg19: memref<!tpu.dma_semaphore, #tpu.memory_space<semaphore_mem>>, %arg20: memref<!tpu.dma_semaphore, #tpu.memory_space<semaphore_mem>>, %arg21: memref<!tpu.dma_semaphore, #tpu.memory_space<semaphore_mem>>, %arg22: memref<!tpu.dma_semaphore, #tpu.memory_space<semaphore_mem>>) attributes {dimension_semantics = [#tpu.dimension_semantics<core_parallel>, #tpu.dimension_semantics<subcore_parallel>], iteration_bounds = array<i64: 2, 16>, scalar_prefetch = 0 : i64, scratch_operands = 16 : i64, tpu.core_type = #tpu.core_type<sc_vector_subcore>, window_params = [{transform_indices = #map}, {transform_indices = #map}, {transform_indices = #map}, {transform_indices = #map}, {transform_indices = #map}]} {
    %mul3A = arith.constant 16 : i32
    %mul3A_0 = arith.muli %arg0, %mul3A : i32
    %add3A = arith.addi %mul3A_0, %arg1 : i32
    %mul3A_1 = arith.constant 102400 : i32
    %mul3A_2 = arith.muli %add3A, %mul3A_1 : i32
    %mul3A_3 = arith.constant 51200 : i32
    %mul3A_4 = arith.muli %arg1, %mul3A_3 : i32
    %add3A_5 = arith.constant 0 : i32
    %add3A_6 = arith.addi %mul3A_2, %add3A_5 : i32
    %dma_start3A = tpu.memref_slice %arg2[%add3A_6] : memref<3276800xi32, #tpu.memory_space<hbm>> -> memref<6400xi32, #tpu.memory_space<hbm>>
    %dma_start3A_7 = tpu.memref_slice %arg2[%add3A_6] : memref<3276800xi32, #tpu.memory_space<hbm>> -> memref<6400xi32, #tpu.memory_space<hbm>>
    tpu.enqueue_dma source(%dma_start3A_7 : memref<6400xi32, #tpu.memory_space<hbm>>) target(%arg9 : memref<6400xi32, #tpu.memory_space<vmem>>) target_semaphore(%arg16 : memref<!tpu.dma_semaphore, #tpu.memory_space<semaphore_mem>>)
    %add3A_8 = arith.constant 0 : i32
    %add3A_9 = arith.addi %mul3A_2, %add3A_8 : i32
    %dma_start3A_10 = tpu.memref_slice %arg3[%add3A_9] : memref<3276800xf32, #tpu.memory_space<hbm>> -> memref<6400xf32, #tpu.memory_space<hbm>>
    %dma_start3A_11 = tpu.memref_slice %arg3[%add3A_9] : memref<3276800xf32, #tpu.memory_space<hbm>> -> memref<6400xf32, #tpu.memory_space<hbm>>
    tpu.enqueue_dma source(%dma_start3A_11 : memref<6400xf32, #tpu.memory_space<hbm>>) target(%arg11 : memref<6400xf32, #tpu.memory_space<vmem>>) target_semaphore(%arg18 : memref<!tpu.dma_semaphore, #tpu.memory_space<semaphore_mem>>)
    %add3A_12 = arith.constant 6400 : i32
    %add3A_13 = arith.addi %mul3A_2, %add3A_12 : i32
    %dma_start3A_14 = tpu.memref_slice %arg2[%add3A_13] : memref<3276800xi32, #tpu.memory_space<hbm>> -> memref<6400xi32, #tpu.memory_space<hbm>>
    %dma_start3A_15 = tpu.memref_slice %arg2[%add3A_13] : memref<3276800xi32, #tpu.memory_space<hbm>> -> memref<6400xi32, #tpu.memory_space<hbm>>
    tpu.enqueue_dma source(%dma_start3A_15 : memref<6400xi32, #tpu.memory_space<hbm>>) target(%arg10 : memref<6400xi32, #tpu.memory_space<vmem>>) target_semaphore(%arg17 : memref<!tpu.dma_semaphore, #tpu.memory_space<semaphore_mem>>)
    %add3A_16 = arith.constant 6400 : i32
    %add3A_17 = arith.addi %mul3A_2, %add3A_16 : i32
    %dma_start3A_18 = tpu.memref_slice %arg3[%add3A_17] : memref<3276800xf32, #tpu.memory_space<hbm>> -> memref<6400xf32, #tpu.memory_space<hbm>>
    %dma_start3A_19 = tpu.memref_slice %arg3[%add3A_17] : memref<3276800xf32, #tpu.memory_space<hbm>> -> memref<6400xf32, #tpu.memory_space<hbm>>
    tpu.enqueue_dma source(%dma_start3A_19 : memref<6400xf32, #tpu.memory_space<hbm>>) target(%arg12 : memref<6400xf32, #tpu.memory_space<vmem>>) target_semaphore(%arg19 : memref<!tpu.dma_semaphore, #tpu.memory_space<semaphore_mem>>)
    %add3A_20 = arith.constant 0 : i32
    %add3A_21 = arith.addi %mul3A_4, %add3A_20 : i32
    %dma_start3A_22 = tpu.memref_slice %arg4[%add3A_21] : memref<819200xi32, #tpu.memory_space<hbm>> -> memref<6400xi32, #tpu.memory_space<hbm>>
    %dma_start3A_23 = tpu.memref_slice %arg4[%add3A_21] : memref<819200xi32, #tpu.memory_space<hbm>> -> memref<6400xi32, #tpu.memory_space<hbm>>
    tpu.enqueue_dma source(%dma_start3A_23 : memref<6400xi32, #tpu.memory_space<hbm>>) target(%arg13 : memref<6400xi32, #tpu.memory_space<vmem>>) target_semaphore(%arg21 : memref<!tpu.dma_semaphore, #tpu.memory_space<semaphore_mem>>)
    %scan3A = arith.constant 0 : i32
    %scan3A_24 = arith.constant 0 : i32
    %scan3A_25 = arith.constant 62 : i32
    %scan3A_26 = arith.addi %scan3A_24, %scan3A_25 : i32
    %scan3A_27 = arith.constant 1 : i32
    scf.for %scan3A_105 = %scan3A_24 to %scan3A_26 step %scan3A_27  : i32 {
      %broadcast_in_dim3A = arith.constant 0.000000e+00 : f32
      %broadcast_in_dim3A_106 = vector.broadcast %broadcast_in_dim3A : f32 to vector<16xf32>
      %mul3A_107 = arith.constant 8 : i32
      %mul3A_108 = arith.muli %scan3A_105, %mul3A_107 : i32
      %add3A_109 = arith.constant 0 : i32
      %add3A_110 = arith.addi %mul3A_108, %add3A_109 : i32
      %mul3A_111 = arith.constant 16 : i32
      %mul3A_112 = arith.muli %add3A_110, %mul3A_111 : i32
      %swap3A = arith.index_cast %mul3A_112 : i32 to index
      %swap3A_113 = tpu.vector_load %arg8[%swap3A] {strides = array<i32>} : memref<7936xf32, #tpu.memory_space<vmem>>, vector<16xf32>,
      %swap3A_114 = vector.shape_cast %swap3A_113 : vector<16xf32> to vector<16xf32>
      %swap3A_115 = vector.shape_cast %broadcast_in_dim3A_106 : vector<16xf32> to vector<16xf32>
      tpu.vector_store %arg8[%swap3A], %swap3A_115 {strides = array<i32>} : memref<7936xf32, #tpu.memory_space<vmem>>, vector<16xf32>,
      %broadcast_in_dim3A_116 = arith.constant 0.000000e+00 : f32
      %broadcast_in_dim3A_117 = vector.broadcast %broadcast_in_dim3A_116 : f32 to vector<16xf32>
      %mul3A_118 = arith.constant 8 : i32
      %mul3A_119 = arith.muli %scan3A_105, %mul3A_118 : i32
      %add3A_120 = arith.constant 1 : i32
      %add3A_121 = arith.addi %mul3A_119, %add3A_120 : i32
      %mul3A_122 = arith.constant 16 : i32
      %mul3A_123 = arith.muli %add3A_121, %mul3A_122 : i32
      %swap3A_124 = arith.index_cast %mul3A_123 : i32 to index
      %swap3A_125 = tpu.vector_load %arg8[%swap3A_124] {strides = array<i32>} : memref<7936xf32, #tpu.memory_space<vmem>>, vector<16xf32>,
      %swap3A_126 = vector.shape_cast %swap3A_125 : vector<16xf32> to vector<16xf32>
      %swap3A_127 = vector.shape_cast %broadcast_in_dim3A_117 : vector<16xf32> to vector<16xf32>
      tpu.vector_store %arg8[%swap3A_124], %swap3A_127 {strides = array<i32>} : memref<7936xf32, #tpu.memory_space<vmem>>, vector<16xf32>,
      %broadcast_in_dim3A_128 = arith.constant 0.000000e+00 : f32
      %broadcast_in_dim3A_129 = vector.broadcast %broadcast_in_dim3A_128 : f32 to vector<16xf32>
      %mul3A_130 = arith.constant 8 : i32
      %mul3A_131 = arith.muli %scan3A_105, %mul3A_130 : i32
      %add3A_132 = arith.constant 2 : i32
      %add3A_133 = arith.addi %mul3A_131, %add3A_132 : i32
      %mul3A_134 = arith.constant 16 : i32
      %mul3A_135 = arith.muli %add3A_133, %mul3A_134 : i32
      %swap3A_136 = arith.index_cast %mul3A_135 : i32 to index
      %swap3A_137 = tpu.vector_load %arg8[%swap3A_136] {strides = array<i32>} : memref<7936xf32, #tpu.memory_space<vmem>>, vector<16xf32>,
      %swap3A_138 = vector.shape_cast %swap3A_137 : vector<16xf32> to vector<16xf32>
      %swap3A_139 = vector.shape_cast %broadcast_in_dim3A_129 : vector<16xf32> to vector<16xf32>
      tpu.vector_store %arg8[%swap3A_136], %swap3A_139 {strides = array<i32>} : memref<7936xf32, #tpu.memory_space<vmem>>, vector<16xf32>,
      %broadcast_in_dim3A_140 = arith.constant 0.000000e+00 : f32
      %broadcast_in_dim3A_141 = vector.broadcast %broadcast_in_dim3A_140 : f32 to vector<16xf32>
      %mul3A_142 = arith.constant 8 : i32
      %mul3A_143 = arith.muli %scan3A_105, %mul3A_142 : i32
      %add3A_144 = arith.constant 3 : i32
      %add3A_145 = arith.addi %mul3A_143, %add3A_144 : i32
      %mul3A_146 = arith.constant 16 : i32
      %mul3A_147 = arith.muli %add3A_145, %mul3A_146 : i32
      %swap3A_148 = arith.index_cast %mul3A_147 : i32 to index
      %swap3A_149 = tpu.vector_load %arg8[%swap3A_148] {strides = array<i32>} : memref<7936xf32, #tpu.memory_space<vmem>>, vector<16xf32>,
      %swap3A_150 = vector.shape_cast %swap3A_149 : vector<16xf32> to vector<16xf32>
      %swap3A_151 = vector.shape_cast %broadcast_in_dim3A_141 : vector<16xf32> to vector<16xf32>
      tpu.vector_store %arg8[%swap3A_148], %swap3A_151 {strides = array<i32>} : memref<7936xf32, #tpu.memory_space<vmem>>, vector<16xf32>,
      %broadcast_in_dim3A_152 = arith.constant 0.000000e+00 : f32
      %broadcast_in_dim3A_153 = vector.broadcast %broadcast_in_dim3A_152 : f32 to vector<16xf32>
      %mul3A_154 = arith.constant 8 : i32
      %mul3A_155 = arith.muli %scan3A_105, %mul3A_154 : i32
      %add3A_156 = arith.constant 4 : i32
      %add3A_157 = arith.addi %mul3A_155, %add3A_156 : i32
      %mul3A_158 = arith.constant 16 : i32
      %mul3A_159 = arith.muli %add3A_157, %mul3A_158 : i32
      %swap3A_160 = arith.index_cast %mul3A_159 : i32 to index
      %swap3A_161 = tpu.vector_load %arg8[%swap3A_160] {strides = array<i32>} : memref<7936xf32, #tpu.memory_space<vmem>>, vector<16xf32>,
      %swap3A_162 = vector.shape_cast %swap3A_161 : vector<16xf32> to vector<16xf32>
      %swap3A_163 = vector.shape_cast %broadcast_in_dim3A_153 : vector<16xf32> to vector<16xf32>
      tpu.vector_store %arg8[%swap3A_160], %swap3A_163 {strides = array<i32>} : memref<7936xf32, #tpu.memory_space<vmem>>, vector<16xf32>,
      %broadcast_in_dim3A_164 = arith.constant 0.000000e+00 : f32
      %broadcast_in_dim3A_165 = vector.broadcast %broadcast_in_dim3A_164 : f32 to vector<16xf32>
      %mul3A_166 = arith.constant 8 : i32
      %mul3A_167 = arith.muli %scan3A_105, %mul3A_166 : i32
      %add3A_168 = arith.constant 5 : i32
      %add3A_169 = arith.addi %mul3A_167, %add3A_168 : i32
      %mul3A_170 = arith.constant 16 : i32
      %mul3A_171 = arith.muli %add3A_169, %mul3A_170 : i32
      %swap3A_172 = arith.index_cast %mul3A_171 : i32 to index
      %swap3A_173 = tpu.vector_load %arg8[%swap3A_172] {strides = array<i32>} : memref<7936xf32, #tpu.memory_space<vmem>>, vector<16xf32>,
      %swap3A_174 = vector.shape_cast %swap3A_173 : vector<16xf32> to vector<16xf32>
      %swap3A_175 = vector.shape_cast %broadcast_in_dim3A_165 : vector<16xf32> to vector<16xf32>
      tpu.vector_store %arg8[%swap3A_172], %swap3A_175 {strides = array<i32>} : memref<7936xf32, #tpu.memory_space<vmem>>, vector<16xf32>,
      %broadcast_in_dim3A_176 = arith.constant 0.000000e+00 : f32
      %broadcast_in_dim3A_177 = vector.broadcast %broadcast_in_dim3A_176 : f32 to vector<16xf32>
      %mul3A_178 = arith.constant 8 : i32
      %mul3A_179 = arith.muli %scan3A_105, %mul3A_178 : i32
      %add3A_180 = arith.constant 6 : i32
      %add3A_181 = arith.addi %mul3A_179, %add3A_180 : i32
      %mul3A_182 = arith.constant 16 : i32
      %mul3A_183 = arith.muli %add3A_181, %mul3A_182 : i32
      %swap3A_184 = arith.index_cast %mul3A_183 : i32 to index
      %swap3A_185 = tpu.vector_load %arg8[%swap3A_184] {strides = array<i32>} : memref<7936xf32, #tpu.memory_space<vmem>>, vector<16xf32>,
      %swap3A_186 = vector.shape_cast %swap3A_185 : vector<16xf32> to vector<16xf32>
      %swap3A_187 = vector.shape_cast %broadcast_in_dim3A_177 : vector<16xf32> to vector<16xf32>
      tpu.vector_store %arg8[%swap3A_184], %swap3A_187 {strides = array<i32>} : memref<7936xf32, #tpu.memory_space<vmem>>, vector<16xf32>,
      %broadcast_in_dim3A_188 = arith.constant 0.000000e+00 : f32
      %broadcast_in_dim3A_189 = vector.broadcast %broadcast_in_dim3A_188 : f32 to vector<16xf32>
      %mul3A_190 = arith.constant 8 : i32
      %mul3A_191 = arith.muli %scan3A_105, %mul3A_190 : i32
      %add3A_192 = arith.constant 7 : i32
      %add3A_193 = arith.addi %mul3A_191, %add3A_192 : i32
      %mul3A_194 = arith.constant 16 : i32
      %mul3A_195 = arith.muli %add3A_193, %mul3A_194 : i32
      %swap3A_196 = arith.index_cast %mul3A_195 : i32 to index
      %swap3A_197 = tpu.vector_load %arg8[%swap3A_196] {strides = array<i32>} : memref<7936xf32, #tpu.memory_space<vmem>>, vector<16xf32>,
      %swap3A_198 = vector.shape_cast %swap3A_197 : vector<16xf32> to vector<16xf32>
      %swap3A_199 = vector.shape_cast %broadcast_in_dim3A_189 : vector<16xf32> to vector<16xf32>
      tpu.vector_store %arg8[%swap3A_196], %swap3A_199 {strides = array<i32>} : memref<7936xf32, #tpu.memory_space<vmem>>, vector<16xf32>,
    }
    %scan3A_28 = arith.constant 62 : i32
    %mul3A_29 = arith.constant 63488 : i32
    %mul3A_30 = arith.muli %arg1, %mul3A_29 : i32
    %add3A_31 = arith.constant 0 : i32
    %add3A_32 = arith.addi %mul3A_30, %add3A_31 : i32
    %dma_start3A_33 = tpu.memref_slice %arg7[%add3A_32] : memref<1015808xf32, #tpu.memory_space<vmem_shared>> -> memref<7936xf32, #tpu.memory_space<vmem_shared>>
    %dma_start3A_34 = tpu.memref_slice %arg7[%add3A_32] : memref<1015808xf32, #tpu.memory_space<vmem_shared>> -> memref<7936xf32, #tpu.memory_space<vmem_shared>>
    tpu.enqueue_dma source(%arg8 : memref<7936xf32, #tpu.memory_space<vmem>>) target(%dma_start3A_34 : memref<7936xf32, #tpu.memory_space<vmem_shared>>) target_semaphore(%arg20 : memref<!tpu.dma_semaphore, #tpu.memory_space<semaphore_mem>>)
    %mul3A_35 = arith.constant 63488 : i32
    %mul3A_36 = arith.muli %arg1, %mul3A_35 : i32
    %add3A_37 = arith.constant 7936 : i32
    %add3A_38 = arith.addi %mul3A_36, %add3A_37 : i32
    %dma_start3A_39 = tpu.memref_slice %arg7[%add3A_38] : memref<1015808xf32, #tpu.memory_space<vmem_shared>> -> memref<7936xf32, #tpu.memory_space<vmem_shared>>
    %dma_start3A_40 = tpu.memref_slice %arg7[%add3A_38] : memref<1015808xf32, #tpu.memory_space<vmem_shared>> -> memref<7936xf32, #tpu.memory_space<vmem_shared>>
    tpu.enqueue_dma source(%arg8 : memref<7936xf32, #tpu.memory_space<vmem>>) target(%dma_start3A_40 : memref<7936xf32, #tpu.memory_space<vmem_shared>>) target_semaphore(%arg20 : memref<!tpu.dma_semaphore, #tpu.memory_space<semaphore_mem>>)
    %mul3A_41 = arith.constant 63488 : i32
    %mul3A_42 = arith.muli %arg1, %mul3A_41 : i32
    %add3A_43 = arith.constant 15872 : i32
    %add3A_44 = arith.addi %mul3A_42, %add3A_43 : i32
    %dma_start3A_45 = tpu.memref_slice %arg7[%add3A_44] : memref<1015808xf32, #tpu.memory_space<vmem_shared>> -> memref<7936xf32, #tpu.memory_space<vmem_shared>>
    %dma_start3A_46 = tpu.memref_slice %arg7[%add3A_44] : memref<1015808xf32, #tpu.memory_space<vmem_shared>> -> memref<7936xf32, #tpu.memory_space<vmem_shared>>
    tpu.enqueue_dma source(%arg8 : memref<7936xf32, #tpu.memory_space<vmem>>) target(%dma_start3A_46 : memref<7936xf32, #tpu.memory_space<vmem_shared>>) target_semaphore(%arg20 : memref<!tpu.dma_semaphore, #tpu.memory_space<semaphore_mem>>)
    %mul3A_47 = arith.constant 63488 : i32
    %mul3A_48 = arith.muli %arg1, %mul3A_47 : i32
    %add3A_49 = arith.constant 23808 : i32
    %add3A_50 = arith.addi %mul3A_48, %add3A_49 : i32
    %dma_start3A_51 = tpu.memref_slice %arg7[%add3A_50] : memref<1015808xf32, #tpu.memory_space<vmem_shared>> -> memref<7936xf32, #tpu.memory_space<vmem_shared>>
    %dma_start3A_52 = tpu.memref_slice %arg7[%add3A_50] : memref<1015808xf32, #tpu.memory_space<vmem_shared>> -> memref<7936xf32, #tpu.memory_space<vmem_shared>>
    tpu.enqueue_dma source(%arg8 : memref<7936xf32, #tpu.memory_space<vmem>>) target(%dma_start3A_52 : memref<7936xf32, #tpu.memory_space<vmem_shared>>) target_semaphore(%arg20 : memref<!tpu.dma_semaphore, #tpu.memory_space<semaphore_mem>>)
    %mul3A_53 = arith.constant 63488 : i32
    %mul3A_54 = arith.muli %arg1, %mul3A_53 : i32
    %add3A_55 = arith.constant 31744 : i32
    %add3A_56 = arith.addi %mul3A_54, %add3A_55 : i32
    %dma_start3A_57 = tpu.memref_slice %arg7[%add3A_56] : memref<1015808xf32, #tpu.memory_space<vmem_shared>> -> memref<7936xf32, #tpu.memory_space<vmem_shared>>
    %dma_start3A_58 = tpu.memref_slice %arg7[%add3A_56] : memref<1015808xf32, #tpu.memory_space<vmem_shared>> -> memref<7936xf32, #tpu.memory_space<vmem_shared>>
    tpu.enqueue_dma source(%arg8 : memref<7936xf32, #tpu.memory_space<vmem>>) target(%dma_start3A_58 : memref<7936xf32, #tpu.memory_space<vmem_shared>>) target_semaphore(%arg20 : memref<!tpu.dma_semaphore, #tpu.memory_space<semaphore_mem>>)
    %mul3A_59 = arith.constant 63488 : i32
    %mul3A_60 = arith.muli %arg1, %mul3A_59 : i32
    %add3A_61 = arith.constant 39680 : i32
    %add3A_62 = arith.addi %mul3A_60, %add3A_61 : i32
    %dma_start3A_63 = tpu.memref_slice %arg7[%add3A_62] : memref<1015808xf32, #tpu.memory_space<vmem_shared>> -> memref<7936xf32, #tpu.memory_space<vmem_shared>>
    %dma_start3A_64 = tpu.memref_slice %arg7[%add3A_62] : memref<1015808xf32, #tpu.memory_space<vmem_shared>> -> memref<7936xf32, #tpu.memory_space<vmem_shared>>
    tpu.enqueue_dma source(%arg8 : memref<7936xf32, #tpu.memory_space<vmem>>) target(%dma_start3A_64 : memref<7936xf32, #tpu.memory_space<vmem_shared>>) target_semaphore(%arg20 : memref<!tpu.dma_semaphore, #tpu.memory_space<semaphore_mem>>)
    %mul3A_65 = arith.constant 63488 : i32
    %mul3A_66 = arith.muli %arg1, %mul3A_65 : i32
    %add3A_67 = arith.constant 47616 : i32
    %add3A_68 = arith.addi %mul3A_66, %add3A_67 : i32
    %dma_start3A_69 = tpu.memref_slice %arg7[%add3A_68] : memref<1015808xf32, #tpu.memory_space<vmem_shared>> -> memref<7936xf32, #tpu.memory_space<vmem_shared>>
    %dma_start3A_70 = tpu.memref_slice %arg7[%add3A_68] : memref<1015808xf32, #tpu.memory_space<vmem_shared>> -> memref<7936xf32, #tpu.memory_space<vmem_shared>>
    tpu.enqueue_dma source(%arg8 : memref<7936xf32, #tpu.memory_space<vmem>>) target(%dma_start3A_70 : memref<7936xf32, #tpu.memory_space<vmem_shared>>) target_semaphore(%arg20 : memref<!tpu.dma_semaphore, #tpu.memory_space<semaphore_mem>>)
    %mul3A_71 = arith.constant 63488 : i32
    %mul3A_72 = arith.muli %arg1, %mul3A_71 : i32
    %add3A_73 = arith.constant 55552 : i32
    %add3A_74 = arith.addi %mul3A_72, %add3A_73 : i32
    %dma_start3A_75 = tpu.memref_slice %arg7[%add3A_74] : memref<1015808xf32, #tpu.memory_space<vmem_shared>> -> memref<7936xf32, #tpu.memory_space<vmem_shared>>
    %dma_start3A_76 = tpu.memref_slice %arg7[%add3A_74] : memref<1015808xf32, #tpu.memory_space<vmem_shared>> -> memref<7936xf32, #tpu.memory_space<vmem_shared>>
    tpu.enqueue_dma source(%arg8 : memref<7936xf32, #tpu.memory_space<vmem>>) target(%dma_start3A_76 : memref<7936xf32, #tpu.memory_space<vmem_shared>>) target_semaphore(%arg20 : memref<!tpu.dma_semaphore, #tpu.memory_space<semaphore_mem>>)
    %dma_wait3A = tpu.memref_slice %arg7[%add3A_32] : memref<1015808xf32, #tpu.memory_space<vmem_shared>> -> memref<7936xf32, #tpu.memory_space<vmem_shared>>
    %dma_wait3A_77 = tpu.memref_slice %arg7[%add3A_32] : memref<1015808xf32, #tpu.memory_space<vmem_shared>> -> memref<7936xf32, #tpu.memory_space<vmem_shared>>
    tpu.wait_dma2 semaphore(%arg20 : memref<!tpu.dma_semaphore, #tpu.memory_space<semaphore_mem>>) src(%arg8 : memref<7936xf32, #tpu.memory_space<vmem>>) dst(%dma_wait3A_77 : memref<7936xf32, #tpu.memory_space<vmem_shared>>)
    %dma_wait3A_78 = tpu.memref_slice %arg7[%add3A_38] : memref<1015808xf32, #tpu.memory_space<vmem_shared>> -> memref<7936xf32, #tpu.memory_space<vmem_shared>>
    %dma_wait3A_79 = tpu.memref_slice %arg7[%add3A_38] : memref<1015808xf32, #tpu.memory_space<vmem_shared>> -> memref<7936xf32, #tpu.memory_space<vmem_shared>>
    tpu.wait_dma2 semaphore(%arg20 : memref<!tpu.dma_semaphore, #tpu.memory_space<semaphore_mem>>) src(%arg8 : memref<7936xf32, #tpu.memory_space<vmem>>) dst(%dma_wait3A_79 : memref<7936xf32, #tpu.memory_space<vmem_shared>>)
    %dma_wait3A_80 = tpu.memref_slice %arg7[%add3A_44] : memref<1015808xf32, #tpu.memory_space<vmem_shared>> -> memref<7936xf32, #tpu.memory_space<vmem_shared>>
    %dma_wait3A_81 = tpu.memref_slice %arg7[%add3A_44] : memref<1015808xf32, #tpu.memory_space<vmem_shared>> -> memref<7936xf32, #tpu.memory_space<vmem_shared>>
    tpu.wait_dma2 semaphore(%arg20 : memref<!tpu.dma_semaphore, #tpu.memory_space<semaphore_mem>>) src(%arg8 : memref<7936xf32, #tpu.memory_space<vmem>>) dst(%dma_wait3A_81 : memref<7936xf32, #tpu.memory_space<vmem_shared>>)
    %dma_wait3A_82 = tpu.memref_slice %arg7[%add3A_50] : memref<1015808xf32, #tpu.memory_space<vmem_shared>> -> memref<7936xf32, #tpu.memory_space<vmem_shared>>
    %dma_wait3A_83 = tpu.memref_slice %arg7[%add3A_50] : memref<1015808xf32, #tpu.memory_space<vmem_shared>> -> memref<7936xf32, #tpu.memory_space<vmem_shared>>
    tpu.wait_dma2 semaphore(%arg20 : memref<!tpu.dma_semaphore, #tpu.memory_space<semaphore_mem>>) src(%arg8 : memref<7936xf32, #tpu.memory_space<vmem>>) dst(%dma_wait3A_83 : memref<7936xf32, #tpu.memory_space<vmem_shared>>)
    %dma_wait3A_84 = tpu.memref_slice %arg7[%add3A_56] : memref<1015808xf32, #tpu.memory_space<vmem_shared>> -> memref<7936xf32, #tpu.memory_space<vmem_shared>>
    %dma_wait3A_85 = tpu.memref_slice %arg7[%add3A_56] : memref<1015808xf32, #tpu.memory_space<vmem_shared>> -> memref<7936xf32, #tpu.memory_space<vmem_shared>>
    tpu.wait_dma2 semaphore(%arg20 : memref<!tpu.dma_semaphore, #tpu.memory_space<semaphore_mem>>) src(%arg8 : memref<7936xf32, #tpu.memory_space<vmem>>) dst(%dma_wait3A_85 : memref<7936xf32, #tpu.memory_space<vmem_shared>>)
    %dma_wait3A_86 = tpu.memref_slice %arg7[%add3A_62] : memref<1015808xf32, #tpu.memory_space<vmem_shared>> -> memref<7936xf32, #tpu.memory_space<vmem_shared>>
    %dma_wait3A_87 = tpu.memref_slice %arg7[%add3A_62] : memref<1015808xf32, #tpu.memory_space<vmem_shared>> -> memref<7936xf32, #tpu.memory_space<vmem_shared>>
    tpu.wait_dma2 semaphore(%arg20 : memref<!tpu.dma_semaphore, #tpu.memory_space<semaphore_mem>>) src(%arg8 : memref<7936xf32, #tpu.memory_space<vmem>>) dst(%dma_wait3A_87 : memref<7936xf32, #tpu.memory_space<vmem_shared>>)
    %dma_wait3A_88 = tpu.memref_slice %arg7[%add3A_68] : memref<1015808xf32, #tpu.memory_space<vmem_shared>> -> memref<7936xf32, #tpu.memory_space<vmem_shared>>
    %dma_wait3A_89 = tpu.memref_slice %arg7[%add3A_68] : memref<1015808xf32, #tpu.memory_space<vmem_shared>> -> memref<7936xf32, #tpu.memory_space<vmem_shared>>
    tpu.wait_dma2 semaphore(%arg20 : memref<!tpu.dma_semaphore, #tpu.memory_space<semaphore_mem>>) src(%arg8 : memref<7936xf32, #tpu.memory_space<vmem>>) dst(%dma_wait3A_89 : memref<7936xf32, #tpu.memory_space<vmem_shared>>)
    %dma_wait3A_90 = tpu.memref_slice %arg7[%add3A_74] : memref<1015808xf32, #tpu.memory_space<vmem_shared>> -> memref<7936xf32, #tpu.memory_space<vmem_shared>>
    %dma_wait3A_91 = tpu.memref_slice %arg7[%add3A_74] : memref<1015808xf32, #tpu.memory_space<vmem_shared>> -> memref<7936xf32, #tpu.memory_space<vmem_shared>>
    tpu.wait_dma2 semaphore(%arg20 : memref<!tpu.dma_semaphore, #tpu.memory_space<semaphore_mem>>) src(%arg8 : memref<7936xf32, #tpu.memory_space<vmem>>) dst(%dma_wait3A_91 : memref<7936xf32, #tpu.memory_space<vmem_shared>>)
    %barrier3A = arith.constant 0 : index
    tpu.barrier barrier_id(%barrier3A)
    %scan3A_92 = arith.constant 0 : i32
    %scan3A_93 = arith.constant 0 : i32
    %scan3A_94 = arith.constant 8 : i32
    %scan3A_95 = arith.addi %scan3A_93, %scan3A_94 : i32
    %scan3A_96 = arith.constant 1 : i32
    scf.for %scan3A_105 = %scan3A_93 to %scan3A_95 step %scan3A_96  : i32 {
      %mul3A_106 = arith.constant 2 : i32
      %mul3A_107 = arith.muli %scan3A_105, %mul3A_106 : i32
      %add3A_108 = arith.constant 0 : i32
      %add3A_109 = arith.addi %mul3A_107, %add3A_108 : i32
      %dma_wait3A_110 = arith.constant 0 : i32
      %dma_wait3A_111 = tpu.memref_slice %arg2[%dma_wait3A_110] : memref<3276800xi32, #tpu.memory_space<hbm>> -> memref<6400xi32, #tpu.memory_space<hbm>>
      %dma_wait3A_112 = arith.constant 0 : i32
      %dma_wait3A_113 = tpu.memref_slice %arg2[%dma_wait3A_112] : memref<3276800xi32, #tpu.memory_space<hbm>> -> memref<6400xi32, #tpu.memory_space<hbm>>
      tpu.wait_dma2 semaphore(%arg16 : memref<!tpu.dma_semaphore, #tpu.memory_space<semaphore_mem>>) src(%dma_wait3A_113 : memref<6400xi32, #tpu.memory_space<hbm>>) dst(%arg9 : memref<6400xi32, #tpu.memory_space<vmem>>)
      %dma_wait3A_114 = arith.constant 0 : i32
      %dma_wait3A_115 = tpu.memref_slice %arg3[%dma_wait3A_114] : memref<3276800xf32, #tpu.memory_space<hbm>> -> memref<6400xf32, #tpu.memory_space<hbm>>
      %dma_wait3A_116 = arith.constant 0 : i32
      %dma_wait3A_117 = tpu.memref_slice %arg3[%dma_wait3A_116] : memref<3276800xf32, #tpu.memory_space<hbm>> -> memref<6400xf32, #tpu.memory_space<hbm>>
      tpu.wait_dma2 semaphore(%arg18 : memref<!tpu.dma_semaphore, #tpu.memory_space<semaphore_mem>>) src(%dma_wait3A_117 : memref<6400xf32, #tpu.memory_space<hbm>>) dst(%arg11 : memref<6400xf32, #tpu.memory_space<vmem>>)
      "tpu.region"() ({
        %run_scoped3A = tpu.sem_alloc : memref<!tpu.dma_semaphore, #tpu.memory_space<semaphore_mem>>
        %dma_start3A_141 = arith.constant 0 : i32
        %dma_start3A_142 = tpu.memref_slice %arg7[%dma_start3A_141] : memref<1015808xf32, #tpu.memory_space<vmem_shared>> -> memref<1015808xf32, #tpu.memory_space<vmem_shared>>
        tpu.enqueue_indirect_dma source(%arg11 : memref<6400xf32, #tpu.memory_space<vmem>>) target(%dma_start3A_142 : memref<1015808xf32, #tpu.memory_space<vmem_shared>>) offsets(%arg9 : memref<6400xi32, #tpu.memory_space<vmem>>) semaphore(%run_scoped3A : memref<!tpu.dma_semaphore, #tpu.memory_space<semaphore_mem>>) {add = true}
        %dma_wait3A_143 = arith.constant 0 : i32
        %dma_wait3A_144 = tpu.memref_slice %arg7[%dma_wait3A_143] : memref<1015808xf32, #tpu.memory_space<vmem_shared>> -> memref<1015808xf32, #tpu.memory_space<vmem_shared>>
        tpu.wait_indirect_dma semaphore(%run_scoped3A : memref<!tpu.dma_semaphore, #tpu.memory_space<semaphore_mem>>) src(%arg11 : memref<6400xf32, #tpu.memory_space<vmem>>) dst(%dma_wait3A_144 : memref<1015808xf32, #tpu.memory_space<vmem_shared>>)
        tpu.yield
      }) : () -> ()
      %add3A_118 = arith.constant 2 : i32
      %add3A_119 = arith.addi %add3A_109, %add3A_118 : i32
      %lt3A = arith.constant 16 : i32
      %lt3A_120 = arith.cmpi slt, %add3A_119, %lt3A : i32
      %convert_element_type3A = arith.extui %lt3A_120 : i1 to i32
      %cond3A = arith.constant 0 : i32
      %cond3A_121 = arith.cmpi ne, %convert_element_type3A, %cond3A : i32
      scf.if %cond3A_121 {
        %add3A_141 = arith.constant 2 : i32
        %add3A_142 = arith.addi %add3A_109, %add3A_141 : i32
        %mul3A_143 = arith.constant 6400 : i32
        %mul3A_144 = arith.muli %add3A_142, %mul3A_143 : i32
        %add3A_145 = arith.addi %mul3A_2, %mul3A_144 : i32
        %dma_start3A_146 = tpu.memref_slice %arg2[%add3A_145] : memref<3276800xi32, #tpu.memory_space<hbm>> -> memref<6400xi32, #tpu.memory_space<hbm>>
        %dma_start3A_147 = tpu.memref_slice %arg2[%add3A_145] : memref<3276800xi32, #tpu.memory_space<hbm>> -> memref<6400xi32, #tpu.memory_space<hbm>>
        tpu.enqueue_dma source(%dma_start3A_147 : memref<6400xi32, #tpu.memory_space<hbm>>) target(%arg9 : memref<6400xi32, #tpu.memory_space<vmem>>) target_semaphore(%arg16 : memref<!tpu.dma_semaphore, #tpu.memory_space<semaphore_mem>>)
        %mul3A_148 = arith.constant 6400 : i32
        %mul3A_149 = arith.muli %add3A_142, %mul3A_148 : i32
        %add3A_150 = arith.addi %mul3A_2, %mul3A_149 : i32
        %dma_start3A_151 = tpu.memref_slice %arg3[%add3A_150] : memref<3276800xf32, #tpu.memory_space<hbm>> -> memref<6400xf32, #tpu.memory_space<hbm>>
        %dma_start3A_152 = tpu.memref_slice %arg3[%add3A_150] : memref<3276800xf32, #tpu.memory_space<hbm>> -> memref<6400xf32, #tpu.memory_space<hbm>>
        tpu.enqueue_dma source(%dma_start3A_152 : memref<6400xf32, #tpu.memory_space<hbm>>) target(%arg11 : memref<6400xf32, #tpu.memory_space<vmem>>) target_semaphore(%arg18 : memref<!tpu.dma_semaphore, #tpu.memory_space<semaphore_mem>>)
      } else {
      }
      %mul3A_122 = arith.constant 2 : i32
      %mul3A_123 = arith.muli %scan3A_105, %mul3A_122 : i32
      %add3A_124 = arith.constant 1 : i32
      %add3A_125 = arith.addi %mul3A_123, %add3A_124 : i32
      %dma_wait3A_126 = arith.constant 0 : i32
      %dma_wait3A_127 = tpu.memref_slice %arg2[%dma_wait3A_126] : memref<3276800xi32, #tpu.memory_space<hbm>> -> memref<6400xi32, #tpu.memory_space<hbm>>
      %dma_wait3A_128 = arith.constant 0 : i32
      %dma_wait3A_129 = tpu.memref_slice %arg2[%dma_wait3A_128] : memref<3276800xi32, #tpu.memory_space<hbm>> -> memref<6400xi32, #tpu.memory_space<hbm>>
      tpu.wait_dma2 semaphore(%arg17 : memref<!tpu.dma_semaphore, #tpu.memory_space<semaphore_mem>>) src(%dma_wait3A_129 : memref<6400xi32, #tpu.memory_space<hbm>>) dst(%arg10 : memref<6400xi32, #tpu.memory_space<vmem>>)
      %dma_wait3A_130 = arith.constant 0 : i32
      %dma_wait3A_131 = tpu.memref_slice %arg3[%dma_wait3A_130] : memref<3276800xf32, #tpu.memory_space<hbm>> -> memref<6400xf32, #tpu.memory_space<hbm>>
      %dma_wait3A_132 = arith.constant 0 : i32
      %dma_wait3A_133 = tpu.memref_slice %arg3[%dma_wait3A_132] : memref<3276800xf32, #tpu.memory_space<hbm>> -> memref<6400xf32, #tpu.memory_space<hbm>>
      tpu.wait_dma2 semaphore(%arg19 : memref<!tpu.dma_semaphore, #tpu.memory_space<semaphore_mem>>) src(%dma_wait3A_133 : memref<6400xf32, #tpu.memory_space<hbm>>) dst(%arg12 : memref<6400xf32, #tpu.memory_space<vmem>>)
      "tpu.region"() ({
        %run_scoped3A = tpu.sem_alloc : memref<!tpu.dma_semaphore, #tpu.memory_space<semaphore_mem>>
        %dma_start3A_141 = arith.constant 0 : i32
        %dma_start3A_142 = tpu.memref_slice %arg7[%dma_start3A_141] : memref<1015808xf32, #tpu.memory_space<vmem_shared>> -> memref<1015808xf32, #tpu.memory_space<vmem_shared>>
        tpu.enqueue_indirect_dma source(%arg12 : memref<6400xf32, #tpu.memory_space<vmem>>) target(%dma_start3A_142 : memref<1015808xf32, #tpu.memory_space<vmem_shared>>) offsets(%arg10 : memref<6400xi32, #tpu.memory_space<vmem>>) semaphore(%run_scoped3A : memref<!tpu.dma_semaphore, #tpu.memory_space<semaphore_mem>>) {add = true}
        %dma_wait3A_143 = arith.constant 0 : i32
        %dma_wait3A_144 = tpu.memref_slice %arg7[%dma_wait3A_143] : memref<1015808xf32, #tpu.memory_space<vmem_shared>> -> memref<1015808xf32, #tpu.memory_space<vmem_shared>>
        tpu.wait_indirect_dma semaphore(%run_scoped3A : memref<!tpu.dma_semaphore, #tpu.memory_space<semaphore_mem>>) src(%arg12 : memref<6400xf32, #tpu.memory_space<vmem>>) dst(%dma_wait3A_144 : memref<1015808xf32, #tpu.memory_space<vmem_shared>>)
        tpu.yield
      }) : () -> ()
      %add3A_134 = arith.constant 2 : i32
      %add3A_135 = arith.addi %add3A_125, %add3A_134 : i32
      %lt3A_136 = arith.constant 16 : i32
      %lt3A_137 = arith.cmpi slt, %add3A_135, %lt3A_136 : i32
      %convert_element_type3A_138 = arith.extui %lt3A_137 : i1 to i32
      %cond3A_139 = arith.constant 0 : i32
      %cond3A_140 = arith.cmpi ne, %convert_element_type3A_138, %cond3A_139 : i32
      scf.if %cond3A_140 {
        %add3A_141 = arith.constant 2 : i32
        %add3A_142 = arith.addi %add3A_125, %add3A_141 : i32
        %mul3A_143 = arith.constant 6400 : i32
        %mul3A_144 = arith.muli %add3A_142, %mul3A_143 : i32
        %add3A_145 = arith.addi %mul3A_2, %mul3A_144 : i32
        %dma_start3A_146 = tpu.memref_slice %arg2[%add3A_145] : memref<3276800xi32, #tpu.memory_space<hbm>> -> memref<6400xi32, #tpu.memory_space<hbm>>
        %dma_start3A_147 = tpu.memref_slice %arg2[%add3A_145] : memref<3276800xi32, #tpu.memory_space<hbm>> -> memref<6400xi32, #tpu.memory_space<hbm>>
        tpu.enqueue_dma source(%dma_start3A_147 : memref<6400xi32, #tpu.memory_space<hbm>>) target(%arg10 : memref<6400xi32, #tpu.memory_space<vmem>>) target_semaphore(%arg17 : memref<!tpu.dma_semaphore, #tpu.memory_space<semaphore_mem>>)
        %mul3A_148 = arith.constant 6400 : i32
        %mul3A_149 = arith.muli %add3A_142, %mul3A_148 : i32
        %add3A_150 = arith.addi %mul3A_2, %mul3A_149 : i32
        %dma_start3A_151 = tpu.memref_slice %arg3[%add3A_150] : memref<3276800xf32, #tpu.memory_space<hbm>> -> memref<6400xf32, #tpu.memory_space<hbm>>
        %dma_start3A_152 = tpu.memref_slice %arg3[%add3A_150] : memref<3276800xf32, #tpu.memory_space<hbm>> -> memref<6400xf32, #tpu.memory_space<hbm>>
        tpu.enqueue_dma source(%dma_start3A_152 : memref<6400xf32, #tpu.memory_space<hbm>>) target(%arg12 : memref<6400xf32, #tpu.memory_space<vmem>>) target_semaphore(%arg19 : memref<!tpu.dma_semaphore, #tpu.memory_space<semaphore_mem>>)
      } else {
      }
    }
    %scan3A_97 = arith.constant 8 : i32
    %barrier3A_98 = arith.constant 0 : index
    tpu.barrier barrier_id(%barrier3A_98)
    %scan3A_99 = arith.constant 0 : i32
    %scan3A_100 = arith.constant 0 : i32
    %scan3A_101 = arith.constant 4 : i32
    %scan3A_102 = arith.addi %scan3A_100, %scan3A_101 : i32
    %scan3A_103 = arith.constant 1 : i32
    scf.for %scan3A_105 = %scan3A_100 to %scan3A_102 step %scan3A_103  : i32 {
      %mul3A_106 = arith.constant 2 : i32
      %mul3A_107 = arith.muli %scan3A_105, %mul3A_106 : i32
      %add3A_108 = arith.constant 0 : i32
      %add3A_109 = arith.addi %mul3A_107, %add3A_108 : i32
      %add3A_110 = arith.constant 1 : i32
      %add3A_111 = arith.addi %add3A_109, %add3A_110 : i32
      %lt3A = arith.constant 8 : i32
      %lt3A_112 = arith.cmpi slt, %add3A_111, %lt3A : i32
      %convert_element_type3A = arith.extui %lt3A_112 : i1 to i32
      %cond3A = arith.constant 0 : i32
      %cond3A_113 = arith.cmpi ne, %convert_element_type3A, %cond3A : i32
      scf.if %cond3A_113 {
        %add3A_158 = arith.constant 1 : i32
        %add3A_159 = arith.addi %add3A_109, %add3A_158 : i32
        %mul3A_160 = arith.constant 6400 : i32
        %mul3A_161 = arith.muli %add3A_159, %mul3A_160 : i32
        %add3A_162 = arith.addi %mul3A_4, %mul3A_161 : i32
        %dma_start3A_163 = tpu.memref_slice %arg4[%add3A_162] : memref<819200xi32, #tpu.memory_space<hbm>> -> memref<6400xi32, #tpu.memory_space<hbm>>
        %dma_start3A_164 = tpu.memref_slice %arg4[%add3A_162] : memref<819200xi32, #tpu.memory_space<hbm>> -> memref<6400xi32, #tpu.memory_space<hbm>>
        tpu.enqueue_dma source(%dma_start3A_164 : memref<6400xi32, #tpu.memory_space<hbm>>) target(%arg14 : memref<6400xi32, #tpu.memory_space<vmem>>) target_semaphore(%arg22 : memref<!tpu.dma_semaphore, #tpu.memory_space<semaphore_mem>>)
      } else {
      }
      %dma_wait3A_114 = arith.constant 0 : i32
      %dma_wait3A_115 = tpu.memref_slice %arg4[%dma_wait3A_114] : memref<819200xi32, #tpu.memory_space<hbm>> -> memref<6400xi32, #tpu.memory_space<hbm>>
      %dma_wait3A_116 = arith.constant 0 : i32
      %dma_wait3A_117 = tpu.memref_slice %arg4[%dma_wait3A_116] : memref<819200xi32, #tpu.memory_space<hbm>> -> memref<6400xi32, #tpu.memory_space<hbm>>
      tpu.wait_dma2 semaphore(%arg21 : memref<!tpu.dma_semaphore, #tpu.memory_space<semaphore_mem>>) src(%dma_wait3A_117 : memref<6400xi32, #tpu.memory_space<hbm>>) dst(%arg13 : memref<6400xi32, #tpu.memory_space<vmem>>)
      "tpu.region"() ({
        %run_scoped3A = tpu.sem_alloc : memref<!tpu.dma_semaphore, #tpu.memory_space<semaphore_mem>>
        %dma_start3A_158 = arith.constant 0 : i32
        %dma_start3A_159 = tpu.memref_slice %arg7[%dma_start3A_158] : memref<1015808xf32, #tpu.memory_space<vmem_shared>> -> memref<1015808xf32, #tpu.memory_space<vmem_shared>>
        tpu.enqueue_indirect_dma source(%dma_start3A_159 : memref<1015808xf32, #tpu.memory_space<vmem_shared>>) target(%arg15 : memref<6400xf32, #tpu.memory_space<vmem>>) offsets(%arg13 : memref<6400xi32, #tpu.memory_space<vmem>>) semaphore(%run_scoped3A : memref<!tpu.dma_semaphore, #tpu.memory_space<semaphore_mem>>)
        %dma_wait3A_160 = arith.constant 0 : i32
        %dma_wait3A_161 = tpu.memref_slice %arg7[%dma_wait3A_160] : memref<1015808xf32, #tpu.memory_space<vmem_shared>> -> memref<1015808xf32, #tpu.memory_space<vmem_shared>>
        tpu.wait_indirect_dma semaphore(%run_scoped3A : memref<!tpu.dma_semaphore, #tpu.memory_space<semaphore_mem>>) src(%dma_wait3A_161 : memref<1015808xf32, #tpu.memory_space<vmem_shared>>) dst(%arg15 : memref<6400xf32, #tpu.memory_space<vmem>>)
        tpu.yield
      }) : () -> ()
      %mul3A_118 = arith.constant 6400 : i32
      %mul3A_119 = arith.muli %add3A_109, %mul3A_118 : i32
      %add3A_120 = arith.addi %mul3A_4, %mul3A_119 : i32
      %eq3A = arith.constant 0 : i32
      %eq3A_121 = arith.cmpi eq, %arg0, %eq3A : i32
      %convert_element_type3A_122 = arith.extui %eq3A_121 : i1 to i32
      %cond3A_123 = arith.constant 0 : i32
      %cond3A_124 = arith.cmpi ne, %convert_element_type3A_122, %cond3A_123 : i32
      scf.if %cond3A_124 {
        "tpu.region"() ({
          %run_scoped3A = tpu.sem_alloc : memref<!tpu.dma_semaphore, #tpu.memory_space<semaphore_mem>>
          %dma_start3A_158 = tpu.memref_slice %arg5[%add3A_120] : memref<819200xf32, #tpu.memory_space<hbm>> -> memref<6400xf32, #tpu.memory_space<hbm>>
          %dma_start3A_159 = tpu.memref_slice %arg5[%add3A_120] : memref<819200xf32, #tpu.memory_space<hbm>> -> memref<6400xf32, #tpu.memory_space<hbm>>
          tpu.enqueue_dma source(%arg15 : memref<6400xf32, #tpu.memory_space<vmem>>) target(%dma_start3A_159 : memref<6400xf32, #tpu.memory_space<hbm>>) target_semaphore(%run_scoped3A : memref<!tpu.dma_semaphore, #tpu.memory_space<semaphore_mem>>)
          %dma_wait3A_160 = tpu.memref_slice %arg5[%add3A_120] : memref<819200xf32, #tpu.memory_space<hbm>> -> memref<6400xf32, #tpu.memory_space<hbm>>
          %dma_wait3A_161 = tpu.memref_slice %arg5[%add3A_120] : memref<819200xf32, #tpu.memory_space<hbm>> -> memref<6400xf32, #tpu.memory_space<hbm>>
          tpu.wait_dma2 semaphore(%run_scoped3A : memref<!tpu.dma_semaphore, #tpu.memory_space<semaphore_mem>>) src(%arg15 : memref<6400xf32, #tpu.memory_space<vmem>>) dst(%dma_wait3A_161 : memref<6400xf32, #tpu.memory_space<hbm>>)
          tpu.yield
        }) : () -> ()
      } else {
      }
      %eq3A_125 = arith.constant 1 : i32
      %eq3A_126 = arith.cmpi eq, %arg0, %eq3A_125 : i32
      %convert_element_type3A_127 = arith.extui %eq3A_126 : i1 to i32
      %cond3A_128 = arith.constant 0 : i32
      %cond3A_129 = arith.cmpi ne, %convert_element_type3A_127, %cond3A_128 : i32
      scf.if %cond3A_129 {
        "tpu.region"() ({
          %run_scoped3A = tpu.sem_alloc : memref<!tpu.dma_semaphore, #tpu.memory_space<semaphore_mem>>
          %dma_start3A_158 = tpu.memref_slice %arg6[%add3A_120] : memref<819200xf32, #tpu.memory_space<hbm>> -> memref<6400xf32, #tpu.memory_space<hbm>>
          %dma_start3A_159 = tpu.memref_slice %arg6[%add3A_120] : memref<819200xf32, #tpu.memory_space<hbm>> -> memref<6400xf32, #tpu.memory_space<hbm>>
          tpu.enqueue_dma source(%arg15 : memref<6400xf32, #tpu.memory_space<vmem>>) target(%dma_start3A_159 : memref<6400xf32, #tpu.memory_space<hbm>>) target_semaphore(%run_scoped3A : memref<!tpu.dma_semaphore, #tpu.memory_space<semaphore_mem>>)
          %dma_wait3A_160 = tpu.memref_slice %arg6[%add3A_120] : memref<819200xf32, #tpu.memory_space<hbm>> -> memref<6400xf32, #tpu.memory_space<hbm>>
          %dma_wait3A_161 = tpu.memref_slice %arg6[%add3A_120] : memref<819200xf32, #tpu.memory_space<hbm>> -> memref<6400xf32, #tpu.memory_space<hbm>>
          tpu.wait_dma2 semaphore(%run_scoped3A : memref<!tpu.dma_semaphore, #tpu.memory_space<semaphore_mem>>) src(%arg15 : memref<6400xf32, #tpu.memory_space<vmem>>) dst(%dma_wait3A_161 : memref<6400xf32, #tpu.memory_space<hbm>>)
          tpu.yield
        }) : () -> ()
      } else {
      }
      %mul3A_130 = arith.constant 2 : i32
      %mul3A_131 = arith.muli %scan3A_105, %mul3A_130 : i32
      %add3A_132 = arith.constant 1 : i32
      %add3A_133 = arith.addi %mul3A_131, %add3A_132 : i32
      %add3A_134 = arith.constant 1 : i32
      %add3A_135 = arith.addi %add3A_133, %add3A_134 : i32
      %lt3A_136 = arith.constant 8 : i32
      %lt3A_137 = arith.cmpi slt, %add3A_135, %lt3A_136 : i32
      %convert_element_type3A_138 = arith.extui %lt3A_137 : i1 to i32
      %cond3A_139 = arith.constant 0 : i32
      %cond3A_140 = arith.cmpi ne, %convert_element_type3A_138, %cond3A_139 : i32
      scf.if %cond3A_140 {
        %add3A_158 = arith.constant 1 : i32
        %add3A_159 = arith.addi %add3A_133, %add3A_158 : i32
        %mul3A_160 = arith.constant 6400 : i32
        %mul3A_161 = arith.muli %add3A_159, %mul3A_160 : i32
        %add3A_162 = arith.addi %mul3A_4, %mul3A_161 : i32
        %dma_start3A_163 = tpu.memref_slice %arg4[%add3A_162] : memref<819200xi32, #tpu.memory_space<hbm>> -> memref<6400xi32, #tpu.memory_space<hbm>>
        %dma_start3A_164 = tpu.memref_slice %arg4[%add3A_162] : memref<819200xi32, #tpu.memory_space<hbm>> -> memref<6400xi32, #tpu.memory_space<hbm>>
        tpu.enqueue_dma source(%dma_start3A_164 : memref<6400xi32, #tpu.memory_space<hbm>>) target(%arg13 : memref<6400xi32, #tpu.memory_space<vmem>>) target_semaphore(%arg21 : memref<!tpu.dma_semaphore, #tpu.memory_space<semaphore_mem>>)
      } else {
      }
      %dma_wait3A_141 = arith.constant 0 : i32
      %dma_wait3A_142 = tpu.memref_slice %arg4[%dma_wait3A_141] : memref<819200xi32, #tpu.memory_space<hbm>> -> memref<6400xi32, #tpu.memory_space<hbm>>
      %dma_wait3A_143 = arith.constant 0 : i32
      %dma_wait3A_144 = tpu.memref_slice %arg4[%dma_wait3A_143] : memref<819200xi32, #tpu.memory_space<hbm>> -> memref<6400xi32, #tpu.memory_space<hbm>>
      tpu.wait_dma2 semaphore(%arg22 : memref<!tpu.dma_semaphore, #tpu.memory_space<semaphore_mem>>) src(%dma_wait3A_144 : memref<6400xi32, #tpu.memory_space<hbm>>) dst(%arg14 : memref<6400xi32, #tpu.memory_space<vmem>>)
      "tpu.region"() ({
        %run_scoped3A = tpu.sem_alloc : memref<!tpu.dma_semaphore, #tpu.memory_space<semaphore_mem>>
        %dma_start3A_158 = arith.constant 0 : i32
        %dma_start3A_159 = tpu.memref_slice %arg7[%dma_start3A_158] : memref<1015808xf32, #tpu.memory_space<vmem_shared>> -> memref<1015808xf32, #tpu.memory_space<vmem_shared>>
        tpu.enqueue_indirect_dma source(%dma_start3A_159 : memref<1015808xf32, #tpu.memory_space<vmem_shared>>) target(%arg15 : memref<6400xf32, #tpu.memory_space<vmem>>) offsets(%arg14 : memref<6400xi32, #tpu.memory_space<vmem>>) semaphore(%run_scoped3A : memref<!tpu.dma_semaphore, #tpu.memory_space<semaphore_mem>>)
        %dma_wait3A_160 = arith.constant 0 : i32
        %dma_wait3A_161 = tpu.memref_slice %arg7[%dma_wait3A_160] : memref<1015808xf32, #tpu.memory_space<vmem_shared>> -> memref<1015808xf32, #tpu.memory_space<vmem_shared>>
        tpu.wait_indirect_dma semaphore(%run_scoped3A : memref<!tpu.dma_semaphore, #tpu.memory_space<semaphore_mem>>) src(%dma_wait3A_161 : memref<1015808xf32, #tpu.memory_space<vmem_shared>>) dst(%arg15 : memref<6400xf32, #tpu.memory_space<vmem>>)
        tpu.yield
      }) : () -> ()
      %mul3A_145 = arith.constant 6400 : i32
      %mul3A_146 = arith.muli %add3A_133, %mul3A_145 : i32
      %add3A_147 = arith.addi %mul3A_4, %mul3A_146 : i32
      %eq3A_148 = arith.constant 0 : i32
      %eq3A_149 = arith.cmpi eq, %arg0, %eq3A_148 : i32
      %convert_element_type3A_150 = arith.extui %eq3A_149 : i1 to i32
      %cond3A_151 = arith.constant 0 : i32
      %cond3A_152 = arith.cmpi ne, %convert_element_type3A_150, %cond3A_151 : i32
      scf.if %cond3A_152 {
        "tpu.region"() ({
          %run_scoped3A = tpu.sem_alloc : memref<!tpu.dma_semaphore, #tpu.memory_space<semaphore_mem>>
          %dma_start3A_158 = tpu.memref_slice %arg5[%add3A_147] : memref<819200xf32, #tpu.memory_space<hbm>> -> memref<6400xf32, #tpu.memory_space<hbm>>
          %dma_start3A_159 = tpu.memref_slice %arg5[%add3A_147] : memref<819200xf32, #tpu.memory_space<hbm>> -> memref<6400xf32, #tpu.memory_space<hbm>>
          tpu.enqueue_dma source(%arg15 : memref<6400xf32, #tpu.memory_space<vmem>>) target(%dma_start3A_159 : memref<6400xf32, #tpu.memory_space<hbm>>) target_semaphore(%run_scoped3A : memref<!tpu.dma_semaphore, #tpu.memory_space<semaphore_mem>>)
          %dma_wait3A_160 = tpu.memref_slice %arg5[%add3A_147] : memref<819200xf32, #tpu.memory_space<hbm>> -> memref<6400xf32, #tpu.memory_space<hbm>>
          %dma_wait3A_161 = tpu.memref_slice %arg5[%add3A_147] : memref<819200xf32, #tpu.memory_space<hbm>> -> memref<6400xf32, #tpu.memory_space<hbm>>
          tpu.wait_dma2 semaphore(%run_scoped3A : memref<!tpu.dma_semaphore, #tpu.memory_space<semaphore_mem>>) src(%arg15 : memref<6400xf32, #tpu.memory_space<vmem>>) dst(%dma_wait3A_161 : memref<6400xf32, #tpu.memory_space<hbm>>)
          tpu.yield
        }) : () -> ()
      } else {
      }
      %eq3A_153 = arith.constant 1 : i32
      %eq3A_154 = arith.cmpi eq, %arg0, %eq3A_153 : i32
      %convert_element_type3A_155 = arith.extui %eq3A_154 : i1 to i32
      %cond3A_156 = arith.constant 0 : i32
      %cond3A_157 = arith.cmpi ne, %convert_element_type3A_155, %cond3A_156 : i32
      scf.if %cond3A_157 {
        "tpu.region"() ({
          %run_scoped3A = tpu.sem_alloc : memref<!tpu.dma_semaphore, #tpu.memory_space<semaphore_mem>>
          %dma_start3A_158 = tpu.memref_slice %arg6[%add3A_147] : memref<819200xf32, #tpu.memory_space<hbm>> -> memref<6400xf32, #tpu.memory_space<hbm>>
          %dma_start3A_159 = tpu.memref_slice %arg6[%add3A_147] : memref<819200xf32, #tpu.memory_space<hbm>> -> memref<6400xf32, #tpu.memory_space<hbm>>
          tpu.enqueue_dma source(%arg15 : memref<6400xf32, #tpu.memory_space<vmem>>) target(%dma_start3A_159 : memref<6400xf32, #tpu.memory_space<hbm>>) target_semaphore(%run_scoped3A : memref<!tpu.dma_semaphore, #tpu.memory_space<semaphore_mem>>)
          %dma_wait3A_160 = tpu.memref_slice %arg6[%add3A_147] : memref<819200xf32, #tpu.memory_space<hbm>> -> memref<6400xf32, #tpu.memory_space<hbm>>
          %dma_wait3A_161 = tpu.memref_slice %arg6[%add3A_147] : memref<819200xf32, #tpu.memory_space<hbm>> -> memref<6400xf32, #tpu.memory_space<hbm>>
          tpu.wait_dma2 semaphore(%run_scoped3A : memref<!tpu.dma_semaphore, #tpu.memory_space<semaphore_mem>>) src(%arg15 : memref<6400xf32, #tpu.memory_space<vmem>>) dst(%dma_wait3A_161 : memref<6400xf32, #tpu.memory_space<hbm>>)
          tpu.yield
        }) : () -> ()
      } else {
      }
    }
    %scan3A_104 = arith.constant 4 : i32
    return
  }
}

module attributes {stable_mosaic.version = 14 : i64} {
  func.func @body(%arg0: memref<819200xf32, #tpu.memory_space<any>>, %arg1: memref<819200xf32, #tpu.memory_space<any>>, %arg2: memref<50x16384xf32, #tpu.memory_space<vmem>>, %arg3: memref<819200xf32, #tpu.memory_space<vmem>>, %arg4: memref<819200xf32, #tpu.memory_space<vmem>>, %arg5: memref<!tpu.dma_semaphore, #tpu.memory_space<semaphore_mem>>, %arg6: memref<!tpu.dma_semaphore, #tpu.memory_space<semaphore_mem>>) attributes {dimension_semantics = [], scalar_prefetch = 0 : i64, scratch_operands = 4 : i64, tpu.core_type = #tpu.core_type<tc>} {
    tpu.enqueue_dma source(%arg0 : memref<819200xf32, #tpu.memory_space<any>>) target(%arg3 : memref<819200xf32, #tpu.memory_space<vmem>>) target_semaphore(%arg5 : memref<!tpu.dma_semaphore, #tpu.memory_space<semaphore_mem>>)
    tpu.enqueue_dma source(%arg1 : memref<819200xf32, #tpu.memory_space<any>>) target(%arg4 : memref<819200xf32, #tpu.memory_space<vmem>>) target_semaphore(%arg6 : memref<!tpu.dma_semaphore, #tpu.memory_space<semaphore_mem>>)
    tpu.wait_dma2 semaphore(%arg5 : memref<!tpu.dma_semaphore, #tpu.memory_space<semaphore_mem>>) src(%arg0 : memref<819200xf32, #tpu.memory_space<any>>) dst(%arg3 : memref<819200xf32, #tpu.memory_space<vmem>>)
    tpu.wait_dma2 semaphore(%arg6 : memref<!tpu.dma_semaphore, #tpu.memory_space<semaphore_mem>>) src(%arg1 : memref<819200xf32, #tpu.memory_space<any>>) dst(%arg4 : memref<819200xf32, #tpu.memory_space<vmem>>)
    %get3A = arith.constant 0 : index
    %get3A_0 = vector.load %arg3[%get3A] : memref<819200xf32, #tpu.memory_space<vmem>>, vector<819200xf32>
    %get3A_1 = arith.constant 0 : index
    %get3A_2 = vector.load %arg4[%get3A_1] : memref<819200xf32, #tpu.memory_space<vmem>>, vector<819200xf32>
    %add3A = arith.addf %get3A_0, %get3A_2 : vector<819200xf32>
    %reshape3A = vector.shape_cast %add3A : vector<819200xf32> to vector<50x16384xf32>
    %swap3A = arith.constant 0 : index
    %swap3A_3 = arith.constant 0 : index
    %swap3A_4 = vector.load %arg2[%swap3A, %swap3A_3] : memref<50x16384xf32, #tpu.memory_space<vmem>>, vector<50x16384xf32>
    tpu.vector_store %arg2[%swap3A, %swap3A_3], %reshape3A {strides = array<i32>} : memref<50x16384xf32, #tpu.memory_space<vmem>>, vector<50x16384xf32>,
    return
  }
}

</mosaic_0001>

<sc_bundles>
// kernel: kernel.4.cloned.1.call-start
scs
__scs_entry_jumppad:
0x0: {  	(pc) =	sbr.rel $0x88, $3  }
0x1: {  	(tag) =	ssettag $0x0;
	lr =	simm.s32 $0x1  }
0x2: {  	[smem:$0x3F9E] =	sst lr;
	_ =	strace $0xD0000000  }
0x3: {  	_ = 	snop  }
0x4: {  	_ = 	snop  }
0x5: {  	_ = 	snop  }
0x6: {  	_ = 	snop  }
0x7: {  	_ = 	snop  }
__scs_overlays_trampoline_lowered:
0x8: {  	[smem:$0x3FAD] =	sst s0  }
0x9: {  	[smem:$0x3FAE] =	sst s1  }
0xa: {  	[smem:$0x3FAF] =	sst s2  }
0xb: {  	[smem:$0x3FB0] =	sst s3  }
0xc: {  	[smem:$0x3FB1] =	sst s4  }
0xd: {  	[smem:$0x3FB2] =	sst s5  }
0xe: {  	[smem:$0x3FB3] =	sst s6  }
0xf: {  	[smem:$0x3FB4] =	sst s7  }
0x10: {  	[smem:$0x3FB5] =	sst s8  }
0x11: {  	[smem:$0x3FB6] =	sst s9;
	s0 =	simm.s32 @!p0 $0x0  }
0x12: {  	s1 =	sld [smem:$0x3F9C];
	s0 =	simm.s32 @p0 $0x1  }
0x13: {  	[smem:$0x3FB7] =	sst s0;
	s0 =	simm.s32 @!p1 $0x0  }
0x14: {  	s2 =	sld [smem:$0x3F9B];
	s0 =	simm.s32 @p1 $0x1  }
0x15: {  	[smem:$0x3FB8] =	sst s0;
	s0 =	simm.s32 @!p2 $0x0  }
0x16: {  	s3 =	sld [smem:$0x3FDB];
	s0 =	simm.s32 @p2 $0x1  }
0x17: {  	s4 =	simm.s32 $0x1BF5;
	[smem:$0x3FBA] =	sst s0  }
0x18: {  	s0 =	sld [smem:$0x3F9D];
	_ =	swait.ge [sflag:s4], $0x0  }
0x19: {  	s7 =	sld [smem:$0x3F9E]  }
0x1a: {  	s8 =	sadd.s32 $0xFFFFE003, lr  }
0x1b: {  	s9 =	sadd.s32 $0xFFFFFEF7, lr;
	s5 =	simm.s32 $0xFFFFFFFF;
	p2 =	slt.u32 s8, $0xFFFFF086  }
0x1c: {  	p1 =	slt.u32 s9, $0xF7A;
	s5 =	simm.s32 @!p2 $0x0  }
0x1d: {  	s5 =	simm.s32 @p1 $0x1;
	p0 =	seq.s32 s7, s2  }
0x1e: {  	s7 =	smul.u32 @!p0 $0xF7A, s2;
	p2 =	seq.s32 @!p0 s5, $0x0  }
0x1f: {  	s9 =	smul.u32 $0xF7A, s1;
	s8 =	simm.s32 @!p0 $0x1BF5;
	p2 =	por !p2, p0  }
0x20: {  	[sflag:s8] =	ssyncset.s32 @!p0 $0xFFFFF086;
	s6 =	sadd.s32 @!p0 s3, s7;
	s7 =	simm.s32 @!p0 $0x108  }
0x21: {  	s3 =	sadd.s32 s3, s9;
	s6 =	sadd.s32 @!p0 $0x88, s6;
	s7 =	simm.s32 @p2 $0x1082  }
0x22: {  	[simem:s7], [sflag:s8] =	dma.local @!p0 [hbm:s6], $0xF7A  }
0x23: {  	s9 =	sor.u32 $0xD0000000, s2;
	s6 =	simm.s32 $0x108;
	_ =	swait.ge @!p0 [sflag:s8], $0x0  }
0x24: {  	s3 =	sadd.s32 $0x88, s3;
	s6 =	simm.s32 @!p1 $0x1082;
	[sflag:s4] =	ssyncset.s32 $0xFFFFF086  }
0x25: {  	[simem:s6], [sflag:s4] =	dma.local [hbm:s3], $0xF7A  }
0x26: {  	[smem:$0x3F9E] =	sst s1;
	(tag) =	ssettag s2;
	_ =	strace s9  }
0x27: {  	s1 =	sld [smem:$0x3FAE]  }
0x28: {  	s2 =	sld [smem:$0x3FAF]  }
0x29: {  	s4 =	sld [smem:$0x3FB1]  }
0x2a: {  	p0 =	seq.s32 s5, $0x0;
	s5 =	sld [smem:$0x3FB2]  }
0x2b: {  	s6 =	sld [smem:$0x3FB3]  }
0x2c: {  	s7 =	sld [smem:$0x3FB4]  }
0x2d: {  	s3 =	simm.s32 $0x108;
	s8 =	sld [smem:$0x3FB5]  }
0x2e: {  	s3 =	simm.s32 @!p0 $0x1082;
	s9 =	sld [smem:$0x3FB6]  }
0x2f: {  	lr =	sadd.s32 s0, s3;
	s0 =	sld [smem:$0x3FAD]  }
0x30: {  	s3 =	sld [smem:$0x3FB0]  }
0x31: {  	[smem:$0x3FB9] =	sst s10  }
0x32: {  	s10 =	sld [smem:$0x3FB7];
	_ =	sdelay $0x3  }
0x33: {  	p0 =	seq.s32 s10, $0x1;
	s10 =	sld [smem:$0x3FB9];
	_ =	sdelay $0x3  }
0x34: {  	[smem:$0x3FB9] =	sst s10  }
0x35: {  	s10 =	sld [smem:$0x3FB8];
	_ =	sdelay $0x3  }
0x36: {  	p1 =	seq.s32 s10, $0x1;
	s10 =	sld [smem:$0x3FB9];
	_ =	sdelay $0x3  }
0x37: {  	[smem:$0x3FB9] =	sst s10  }
0x38: {  	s10 =	sld [smem:$0x3FBA]  }
0x39: {  	_ = 	snop;
	(pc) =	sbr.ind lr, $3  }
0x3a: {  	_ = 	snop  }
0x3b: {  	_ = 	snop  }
0x3c: {  	p2 =	seq.s32 s10, $0x1;
	s10 =	sld [smem:$0x3FB9]  }
0x3d: {  	_ =	shalt  }
0x3e: {  	_ =	shalt  }
0x3f: {  	_ =	shalt  }
0x40: {  	_ =	shalt  }
0x41: {  	_ =	shalt  }
0x42: {  	_ =	shalt  }
0x43: {  	_ =	shalt  }
0x44: {  	_ =	shalt  }
0x45: {  	_ =	shalt  }
0x46: {  	_ =	shalt  }
0x47: {  	_ =	shalt  }
0x48: {  	_ =	shalt  }
0x49: {  	_ =	shalt  }
0x4a: {  	_ =	shalt  }
0x4b: {  	_ =	shalt  }
0x4c: {  	_ =	shalt  }
0x4d: {  	_ =	shalt  }
0x4e: {  	_ =	shalt  }
0x4f: {  	_ =	shalt  }
0x50: {  	_ =	shalt  }
0x51: {  	_ =	shalt  }
0x52: {  	_ =	shalt  }
0x53: {  	_ =	shalt  }
0x54: {  	_ =	shalt  }
0x55: {  	_ =	shalt  }
0x56: {  	_ =	shalt  }
0x57: {  	_ =	shalt  }
0x58: {  	_ =	shalt  }
0x59: {  	_ =	shalt  }
0x5a: {  	_ =	shalt  }
0x5b: {  	_ =	shalt  }
0x5c: {  	_ =	shalt  }
0x5d: {  	_ =	shalt  }
0x5e: {  	_ =	shalt  }
0x5f: {  	_ =	shalt  }
0x60: {  	_ =	shalt  }
0x61: {  	_ =	shalt  }
0x62: {  	_ =	shalt  }
0x63: {  	_ =	shalt  }
0x64: {  	_ =	shalt  }
0x65: {  	_ =	shalt  }
0x66: {  	_ =	shalt  }
0x67: {  	_ =	shalt  }
0x68: {  	_ =	shalt  }
0x69: {  	_ =	shalt  }
0x6a: {  	_ =	shalt  }
0x6b: {  	_ =	shalt  }
0x6c: {  	_ =	shalt  }
0x6d: {  	_ =	shalt  }
0x6e: {  	_ =	shalt  }
0x6f: {  	_ =	shalt  }
0x70: {  	_ =	shalt  }
0x71: {  	_ =	shalt  }
0x72: {  	_ =	shalt  }
0x73: {  	_ =	shalt  }
0x74: {  	_ =	shalt  }
0x75: {  	_ =	shalt  }
0x76: {  	_ =	shalt  }
0x77: {  	_ =	shalt  }
0x78: {  	_ =	shalt  }
0x79: {  	_ =	shalt  }
0x7a: {  	_ =	shalt  }
0x7b: {  	_ =	shalt  }
0x7c: {  	_ =	shalt  }
0x7d: {  	_ =	shalt  }
0x7e: {  	_ =	shalt  }
0x7f: {  	_ =	shalt  }
0x80: {  	_ =	shalt  }
0x81: {  	_ =	shalt  }
0x82: {  	_ =	shalt  }
0x83: {  	_ =	shalt  }
0x84: {  	_ =	shalt  }
0x85: {  	_ =	shalt  }
0x86: {  	_ =	shalt  }
0x87: {  	_ =	shalt  }
.Lfunc_end0:
.L_simem_size_0:
called_computation_lowered:
.L_overlay_start_0:
0x88: {  	s2 =	sld [smem:$0x3FD9]  }
0x89: {  	s3 =	sld [smem:$0x3FFE];
	_ =	sdelay $0x1  }
0x8a: {  	s1 =	srdreg.scid  }
0x8b: {  	s0 =	sand.u32 $0x1, s1  }
0x8c: {  	s17 =	sshll.u32 s0, $0xA;
	s2 =	sadd.s32 s3, s2  }
0x8d: {  	s2 =	sadd.s32 s2, s17  }
0x8e: {  	[smem:$0x3FC5] =	sst s2  }
0x8f: {  	_ = 	snop  }
0x90: {  	s2 =	sld [smem:$0x3FC9]  }
0x91: {  	s18 =	sld [smem:$0x3FC8]  }
0x92: {  	s4 =	sld [smem:$0x3FD0];
	(tm) =	ssettm $0x1  }
0x93: {  	s5 =	sld [smem:$0x3FFB];
	_ =	sdelay $0x3  }
0x94: {  	_ =	strace s5  }
0x95: {  	s5 =	sld [smem:$0x3FFC];
	_ =	sdelay $0x3  }
0x96: {  	_ =	strace s5  }
0x97: {  	s5 =	sld [smem:$0x3FFD];
	_ =	sdelay $0x3  }
0x98: {  	_ =	strace s5  }
0x99: {  	_ =	strace $0x8FFFFFFF  }
0x9a: {  	s19 =	sld [smem:$0x3FDB];
	_ =	sdelay $0x1  }
0x9b: {  	s6 =	simm.s32 $_scs_section_size  }
0x9c: {  	s7 =	simm.s32 $_size__tile_overlayer_lowered;
	s8 =	simm.s32 $_tile_overlayer_lowered  }
0x9d: {  	s22 =	simm.s32 $0x1BFF;
	s21 =	sshll.u32 s8, $0x1;
	s5 =	sadd.s32 s6, s19  }
0x9e: {  	s9 =	simm.s32 $0x0;
	s20 =	sshll.u32 s7, $0x1;
	s7 =	sadd.s32 s21, s5  }
0x9f: {  	[timem:s9], [sflag:s22] =	dma.local [hbm:s7], s20  }
0xa0: {  	_ =	swait.ge [sflag:s22], s20  }
0xa1: {  	s6 =	ssub.s32 $0x0, s20;
	[sflag:s22] =	ssyncset.done $0x0  }
0xa2: {  	[sflag:s22] =	ssyncadd.s32 s6;
	_ =	sdelay $0x1  }
0xa3: {  	s23 =	simm.s32 $0x1B8B  }
0xa4: {  	_ =	swait.ge [sflag:s23], $0x1  }
0xa5: {  	[sflag:s23] =	ssyncset.done $0x0  }
0xa6: {  	s25 =	simm.s32 $0x1B8E;
	s24 =	sld [smem:$0x3FFE];
	[sflag:s23] =	ssyncadd.s32 $0xFFFFFFFF  }
0xa7: {  	s26 =	simm.s32 $execute0_lowered;
	[smem:$0x3FD2] =	sst s25  }
0xa8: {  	s7 =	sshll.u32 s26, $0x1;
	_ =	strace $0x80000046;
	[dreg:$0x1] =	wrdreg $0xFFFFFFFF  }
0xa9: {  	s28 =	simm.s32 $_size_execute0_lowered;
	s5 =	sadd.s32 s5, s7;
	[dreg:$0x0] =	wrdreg $0x0  }
0xaa: {  	s7 =	sshll.u32 s28, $0x1;
	[dreg:$0x2] =	wrdreg s5  }
0xab: {  	[dreg:$0x3] =	wrdreg s7  }
0xac: {  	[dreg:$0x4] =	wrdreg $0xC0  }
0xad: {  	_ =	task [dreg:s9], $0x5FFFF  }
0xae: {  	[dreg:$0x1] =	wrdreg $0xFFFFFFFF  }
0xaf: {  	[dreg:$0x0] =	wrdreg $0x60  }
0xb0: {  	[dreg:$0x2] =	wrdreg s2  }
0xb1: {  	[dreg:$0x3] =	wrdreg s18  }
0xb2: {  	[dreg:$0x4] =	wrdreg s4  }
0xb3: {  	[dreg:$0x5] =	wrdreg s24  }
0xb4: {  	[dreg:$0x6] =	wrdreg $0x0  }
0xb5: {  	[dreg:$0x7] =	wrdreg $0x9  }
0xb6: {  	_ =	task.clear_ibuf [dreg:s9], $0x8FFFF;
	_ =	strace $0x90000046  }
0xb7: {  	s29 =	simm.s32 $0x9;
	_ =	strace $0x80000048  }
0xb8: {  	_ =	swait.ge [sflag:s29], $0x1  }
0xb9: {  	[sflag:s29] =	ssyncadd.s32 $0xFFFFFFFF  }
0xba: {  	_ =	strace $0x90000048  }
0xbb: {  	_ =	sfence  }
0xbc: {  	s30 =	sld [smem:$0x0];
	_ =	sdelay $0x2  }
0xbd: {  	s31 =	sshll.u32 s1, $0xD;
	s1 =	sshrl.u32 s1, $0x2  }
0xbe: {  	s3 =	sand.u32 $0x4000, s31;
	s1 =	sadd.s32 s1, s30  }
0xbf: {  	s0 =	sor.u32 s3, s0;
	s1 =	sshll.u32 s1, $0x11  }
0xc0: {  	s0 =	sor.u32 s1, s0  }
0xc1: {  	s0 =	sadd.s32 $0x8F2B, s0  }
0xc2: {  	[sflag:s0] =	ssyncadd.remote.s32 $0x1  }
0xc3: {  	_ =	sfence.sel $0xFFFF  }
0xc4: {  	[dreg:$0x0] =	wrdreg $0xFFFFFFFF;
	(pc) =	sbr.abs _section_cstart, $3  }
0xc5: {  	[dreg:$0x1] =	wrdreg $0xFFFFFFFF  }
0xc6: {  	_ =	task.clear_ibuf [dreg:s9], $0x2FFFF;
	_ =	strace $0x9FFFFFFF  }
0xc7: {  	(tm) =	ssettm $0x7FFFFFFF  }
tec
execute0_lowered:
.L_overlay_start_1:
0x0: {  	(tag) =	ssettag $0x1  }
0x1: {  	s0 =	rddreg [dreg:$0x0]  }
0x2: {  	s1 =	rddreg [dreg:$0x1]  }
0x3: {  	s2 =	rddreg [dreg:$0x2]  }
0x4: {  	s6 =	rddreg [dreg:$0x3]  }
0x5: {  	s3 =	srdreg.scid;
	s4 =	rddreg [dreg:$0x4]  }
0x6: {  	s12 =	stileid.u32;
	s5 =	simm.s32 $0x0;
	s29 =	simm.s32 $0x11700  }
0x7: {  	s30 =	simm.s32 $0x14900;
	s31 =	simm.s32 $0x13000;
	s22 =	smul.u32 $0x3E000, s12  }
0x8: {  	s3 =	sand.u32 $0x1, s3;
	[smem:$0x7FF] =	sst s5;
	s10 =	smul.u32 $0xC800, s12  }
0x9: {  	s19 =	smul.u32 $0x19000, s12;
	s7 =	sshll.u32 s3, $0x4;
	s8 =	ssub.s32 $0x2, s3  }
0xa: {  	_ =	strace $0x80000047;
	p0 =	seq.s32 s3, $0x0;
	s3 =	smul.u32 $0x190000, s3  }
0xb: {  	s7 =	sor.u32 s12, s7;
	s9 =	sshrl.u32 s8, $0x1;
	s25 =	sshrl.u32 s22, $0x2  }
0xc: {  	s28 =	sshrl.u32 s10, $0x3;
	s22 =	smul.u32 $0x1900, s12;
	s13 =	sadd.s32 s25, s4  }
0xd: {  	s12 =	simm.s32 $0x8;
	s14 =	sadd.s32 $0x1F00, s13;
	[dreg:$0xa] =	wrdreg s13  }
0xe: {  	s7 =	smul.u32 $0x19000, s7;
	s15 =	sadd.s32 $0x3E00, s13;
	[dreg:$0xc] =	wrdreg s14  }
0xf: {  	s8 =	ssub.s32 s8, s9;
	s16 =	sadd.s32 $0x5D00, s13;
	[dreg:$0xd] =	wrdreg s15  }
0x10: {  	s10 =	sadd.s32 $0x15E0, s28;
	s17 =	sadd.s32 $0x7C00, s13;
	[dreg:$0xe] =	wrdreg s16  }
0x11: {  	s3 =	sadd.s32 s19, s3;
	s18 =	sadd.s32 $0x9B00, s13;
	[dreg:$0xf] =	wrdreg s17  }
0x12: {  	s9 =	simm.s32 $0x3;
	s8 =	smax.u32 s8, $0x1;
	[dreg:$0x10] =	wrdreg s18  }
0x13: {  	s19 =	simm.s32 $0x7;
	s20 =	sadd.s32 s2, s10;
	[dreg:$0x11] =	wrdreg s8  }
0x14: {  	s25 =	sadd.s32 $0x3200, s3;
	s7 =	sshrl.u32 s7, $0x3;
	[dreg:$0x12] =	wrdreg s20  }
0x15: {  	[dreg:$0x15] =	wrdreg s25;
	s8 =	simm.s32 $0x1;
	s14 =	simm.s32 $0x4  }
0x16: {  	s15 =	simm.s32 $0x19400;
	s16 =	simm.s32 $0x6;
	s11 =	sadd.s32 s0, s7  }
0x17: {  	s23 =	sadd.s32 $0x320, s7;
	s7 =	sadd.s32 s1, s7;
	[dreg:$0x6] =	wrdreg s11  }
0x18: {  	s17 =	simm.s32 $0x1AD00;
	[dreg:$0x7] =	wrdreg s7;
	s24 =	sadd.s32 s0, s23  }
0x19: {  	s18 =	simm.s32 $0x9;
	s26 =	sadd.s32 s1, s23;
	[dreg:$0x8] =	wrdreg s24  }
0x1a: {  	s11 =	sadd.s32 s2, s28;
	s7 =	simm.s32 $0xC00;
	[dreg:$0x9] =	wrdreg s26  }
0x1b: {  	s20 =	simm.s32 $0x0;
	[dreg:$0xb] =	wrdreg s11;
	s7 =	simm.s32 @!p0 $0x19C00  }
0x1c: {  	s24 =	sadd.s32 $0x4B00, s3;
	s26 =	sadd.s32 $0xBA00, s13;
	s3 =	simm.s32 $0x17B00  }
0x1d: {  	s11 =	simm.s32 $0x1900;
	s6 =	sadd.s32 s7, s6;
	[dreg:$0x16] =	wrdreg s26  }
0x1e: {  	s21 =	sadd.s32 s6, s28;
	s23 =	sadd.s32 s6, s10;
	s28 =	sadd.s32 $0xD900, s13  }
0x1f: {  	s13 =	simm.s32 $0x2;
	s7 =	sadd.s32 $0x12C0, s21;
	[dreg:$0x14] =	wrdreg s23  }
0x20: {  	s21 =	sadd.s32 s22, s6;
	s22 =	sadd.s32 s22, s2;
	[dreg:$0x17] =	wrdreg s28  }
0x21: {  	s2 =	simm.s32 $0x16200;
	[dreg:$0x13] =	wrdreg s7;
	s7 =	sshrl.u32 s24, $0x3  }
0x22: {  	v0 =	vimm.f32 $0.0e+00;
	s23 =	sadd.s32 s7, s1;
	s24 =	sadd.s32 s7, s0;
	s7 =	simm.s32 $0x5  }
.LBB2_1:
0x23: {  	s6 =	rddreg [dreg:$0x6]  }
0x24: {  	[tilespmem:s29], [sflag:$0x1] =	stream.linear.gather [hbm4b:s6+s5], $0x1900, $0x38;
	[tilespmem:$0x1C600] =	vst v63  }
0x25: {  	s26 =	rddreg [dreg:$0x7]  }
0x26: {  	[tilespmem:s30], [sflag:$0x3] =	stream.linear.gather [hbm4b:s26+s5], $0x1900, $0x38;
	[tilespmem:$0x1C600] =	vst v63  }
0x27: {  	s10 =	rddreg [dreg:$0x8]  }
0x28: {  	[tilespmem:s31], [sflag:$0x2] =	stream.linear.gather [hbm4b:s10+s5], $0x1900, $0x38;
	[tilespmem:$0x1C600] =	vst v63  }
0x29: {  	s25 =	rddreg [dreg:$0x9]  }
0x2a: {  	[tilespmem:s2], [sflag:$0x4] =	stream.linear.gather [hbm4b:s25+s5], $0x1900, $0x38;
	[tilespmem:$0x1C600] =	vst v63  }
0x2b: {  	s26 =	rddreg [dreg:$0xb]  }
0x2c: {  	[tilespmem:s3], [sflag:$0x6] =	stream.linear.gather [hbm4b:s26+s5], $0x1900, $0x38;
	[tilespmem:$0x1C600] =	vst v63  }
0x2d: {  	s28 =	simm.s32 $0x200;
	s26 =	simm.s32 $0x0  }
.LBB2_2:
0x2e: {  	p1 =	sne.s32 s28, $0x7A00;
	[tilespmem:s26+$0xF870] =	vst v0  }
0x2f: {  	[tilespmem:s26+$0xF800] =	vst v0  }
0x30: {  	[tilespmem:s26+$0xF810] =	vst v0  }
.Ltmp0:
0x31: {  	[tilespmem:s26+$0xF820] =	vst v0;
	(pc) =	sbr.rel @p1 .LBB2_2-.Ltmp0, $4  }
0x32: {  	[tilespmem:s26+$0xF830] =	vst v0  }
0x33: {  	[tilespmem:s26+$0xF840] =	vst v0  }
0x34: {  	[tilespmem:s26+$0xF850] =	vst v0  }
0x35: {  	[tilespmem:s26+$0xF860] =	vst v0;
	s26 =	sshra.s32 s28, $0x2;
	s28 =	sadd.s32 $0x200, s28  }
0x36: {  	[tilespmem:s26+$0xF870] =	vst v0  }
0x37: {  	[tilespmem:s26+$0xF800] =	vst v0  }
0x38: {  	[tilespmem:s26+$0xF810] =	vst v0  }
0x39: {  	[tilespmem:s26+$0xF820] =	vst v0  }
0x3a: {  	[tilespmem:s26+$0xF830] =	vst v0  }
0x3b: {  	[tilespmem:s26+$0xF840] =	vst v0  }
0x3c: {  	[tilespmem:s26+$0xF850] =	vst v0  }
0x3d: {  	[tilespmem:s26+$0xF860] =	vst v0;
	s6 =	rddreg [dreg:$0xa];
	s10 =	simm.s32 $0xF800  }
0x3e: {  	[spmem:s6] =	stream.linear.scatter [tilespmem:s10], [sflag:$0x5], $0x1F00, $0x38;
	[tilespmem:$0x1C600] =	vst v63  }
0x3f: {  	s26 =	rddreg [dreg:$0xc]  }
0x40: {  	[spmem:s26] =	stream.linear.scatter [tilespmem:s10], [sflag:$0x5], $0x1F00, $0x38;
	[tilespmem:$0x1C600] =	vst v63  }
0x41: {  	s25 =	rddreg [dreg:$0xd]  }
0x42: {  	[spmem:s25] =	stream.linear.scatter [tilespmem:s10], [sflag:$0x5], $0x1F00, $0x38;
	[tilespmem:$0x1C600] =	vst v63  }
0x43: {  	s26 =	rddreg [dreg:$0xe]  }
0x44: {  	[spmem:s26] =	stream.linear.scatter [tilespmem:s10], [sflag:$0x5], $0x1F00, $0x38;
	[tilespmem:$0x1C600] =	vst v63  }
0x45: {  	s25 =	rddreg [dreg:$0xf]  }
0x46: {  	[spmem:s25] =	stream.linear.scatter [tilespmem:s10], [sflag:$0x5], $0x1F00, $0x38;
	[tilespmem:$0x1C600] =	vst v63  }
0x47: {  	s26 =	rddreg [dreg:$0x10]  }
0x48: {  	[spmem:s26] =	stream.linear.scatter [tilespmem:s10], [sflag:$0x5], $0x1F00, $0x38;
	[tilespmem:$0x1C600] =	vst v63  }
0x49: {  	s25 =	rddreg [dreg:$0x16]  }
0x4a: {  	[spmem:s25] =	stream.linear.scatter [tilespmem:s10], [sflag:$0x5], $0x1F00, $0x38;
	[tilespmem:$0x1C600] =	vst v63  }
0x4b: {  	s26 =	rddreg [dreg:$0x17]  }
0x4c: {  	[spmem:s26] =	stream.linear.scatter [tilespmem:s10], [sflag:$0x5], $0x1F00, $0x38;
	[tilespmem:$0x1C600] =	vst v63  }
0x4d: {  	_ =	swait.ge [sflag:s7], $0x1F00  }
0x4e: {  	[sflag:s7] =	ssyncset.done $0x0  }
0x4f: {  	[sflag:s7] =	ssyncadd.s32 $0xFFFFE100  }
0x50: {  	_ =	swait.ge [sflag:s7], $0x1F00  }
0x51: {  	[sflag:s7] =	ssyncset.done $0x0  }
0x52: {  	[sflag:s7] =	ssyncadd.s32 $0xFFFFE100  }
0x53: {  	_ =	swait.ge [sflag:s7], $0x1F00  }
0x54: {  	[sflag:s7] =	ssyncset.done $0x0  }
0x55: {  	[sflag:s7] =	ssyncadd.s32 $0xFFFFE100  }
0x56: {  	_ =	swait.ge [sflag:s7], $0x1F00  }
0x57: {  	[sflag:s7] =	ssyncset.done $0x0  }
0x58: {  	[sflag:s7] =	ssyncadd.s32 $0xFFFFE100  }
0x59: {  	_ =	swait.ge [sflag:s7], $0x1F00  }
0x5a: {  	[sflag:s7] =	ssyncset.done $0x0  }
0x5b: {  	[sflag:s7] =	ssyncadd.s32 $0xFFFFE100  }
0x5c: {  	_ =	swait.ge [sflag:s7], $0x1F00  }
0x5d: {  	[sflag:s7] =	ssyncset.done $0x0  }
0x5e: {  	[sflag:s7] =	ssyncadd.s32 $0xFFFFE100  }
0x5f: {  	_ =	swait.ge [sflag:s7], $0x1F00  }
0x60: {  	[sflag:s7] =	ssyncset.done $0x0  }
0x61: {  	[sflag:s7] =	ssyncadd.s32 $0xFFFFE100  }
0x62: {  	_ =	swait.ge [sflag:s7], $0x1F00  }
0x63: {  	[sflag:s7] =	ssyncset.done $0x0  }
0x64: {  	[sflag:s7] =	ssyncadd.s32 $0xFFFFE100  }
0x65: {  	[bflag:$0x0] =	sbarrier.arrive $0xFFFF  }
0x66: {  	_ =	swait.ge [sflag:s8], $0x1900  }
0x67: {  	[sflag:s8] =	ssyncset.done $0x0  }
0x68: {  	[sflag:s8] =	ssyncadd.s32 $0xFFFFE700  }
0x69: {  	_ =	swait.ge [sflag:s9], $0x1900  }
0x6a: {  	[sflag:s9] =	ssyncset.done $0x0  }
0x6b: {  	[sflag:s9] =	ssyncadd.s32 $0xFFFFE700  }
0x6c: {  	[spmem:s4] =	stream.indirect.scatter.add.f32 [tilespmem:s30], [sflag:$0x8], $0x1, s29, s11, $0xb8;
	[tilespmem:$0x1C600] =	vst v63  }
0x6d: {  	_ =	swait.ge [sflag:s12], $0x1900  }
0x6e: {  	s6 =	rddreg [dreg:$0x15]  }
0x6f: {  	[sflag:s12] =	ssyncset.done $0x0;
	s10 =	sshrl.u32 s6, $0x3  }
0x70: {  	[sflag:s12] =	ssyncadd.s32 $0xFFFFE700;
	s25 =	sadd.s32 s0, s10  }
0x71: {  	[tilespmem:s29], [sflag:$0x1] =	stream.linear.gather [hbm4b:s25+s5], $0x1900, $0x38;
	[tilespmem:$0x1C600] =	vst v63  }
0x72: {  	s10 =	sadd.s32 s1, s10  }
0x73: {  	[tilespmem:s30], [sflag:$0x3] =	stream.linear.gather [hbm4b:s10+s5], $0x1900, $0x38;
	[tilespmem:$0x1C600] =	vst v63  }
0x74: {  	_ =	swait.ge [sflag:s13], $0x1900  }
0x75: {  	[sflag:s13] =	ssyncset.done $0x0  }
0x76: {  	[sflag:s13] =	ssyncadd.s32 $0xFFFFE700  }
0x77: {  	_ =	swait.ge [sflag:s14], $0x1900  }
0x78: {  	[sflag:s14] =	ssyncset.done $0x0  }
0x79: {  	[sflag:s14] =	ssyncadd.s32 $0xFFFFE700  }
0x7a: {  	[spmem:s4] =	stream.indirect.scatter.add.f32 [tilespmem:s2], [sflag:$0x8], $0x1, s31, s11, $0xb8;
	[tilespmem:$0x1C600] =	vst v63  }
0x7b: {  	_ =	swait.ge [sflag:s12], $0x1900  }
0x7c: {  	[sflag:s12] =	ssyncset.done $0x0  }
0x7d: {  	s26 =	sadd.s32 $0x0, s24;
	[sflag:s12] =	ssyncadd.s32 $0xFFFFE700  }
0x7e: {  	[tilespmem:s31], [sflag:$0x2] =	stream.linear.gather [hbm4b:s26+s5], $0x1900, $0x38;
	[tilespmem:$0x1C600] =	vst v63  }
0x7f: {  	s28 =	sadd.s32 $0x3200, s6;
	s10 =	sadd.s32 $0x0, s23;
	s26 =	simm.s32 $0x640  }
.LBB2_4:
0x80: {  	[tilespmem:s2], [sflag:$0x4] =	stream.linear.gather [hbm4b:s10+s5], $0x1900, $0x38;
	[tilespmem:$0x1C600] =	vst v63  }
0x81: {  	s10 =	smov.u32 s26  }
0x82: {  	p1 =	sne.s32 s26, $0x2580;
	s26 =	sadd.s32 $0x640, s26;
	_ =	swait.ge [sflag:s8], $0x1900  }
0x83: {  	[sflag:s8] =	ssyncset.done $0x0  }
0x84: {  	[sflag:s8] =	ssyncadd.s32 $0xFFFFE700  }
0x85: {  	_ =	swait.ge [sflag:s9], $0x1900  }
0x86: {  	[sflag:s9] =	ssyncset.done $0x0  }
0x87: {  	[sflag:s9] =	ssyncadd.s32 $0xFFFFE700  }
0x88: {  	[spmem:s4] =	stream.indirect.scatter.add.f32 [tilespmem:s30], [sflag:$0x8], $0x1, s29, s11, $0xb8;
	[tilespmem:$0x1C600] =	vst v63  }
0x89: {  	_ =	swait.ge [sflag:s12], $0x1900  }
0x8a: {  	s25 =	sshrl.u32 s28, $0x3;
	[sflag:s12] =	ssyncset.done $0x0  }
0x8b: {  	s6 =	sadd.s32 s0, s25;
	[sflag:s12] =	ssyncadd.s32 $0xFFFFE700  }
0x8c: {  	[tilespmem:s29], [sflag:$0x1] =	stream.linear.gather [hbm4b:s6+s5], $0x1900, $0x38;
	[tilespmem:$0x1C600] =	vst v63  }
0x8d: {  	s6 =	sadd.s32 s1, s25  }
0x8e: {  	[tilespmem:s30], [sflag:$0x3] =	stream.linear.gather [hbm4b:s6+s5], $0x1900, $0x38;
	[tilespmem:$0x1C600] =	vst v63  }
0x8f: {  	_ =	swait.ge [sflag:s13], $0x1900  }
0x90: {  	[sflag:s13] =	ssyncset.done $0x0  }
0x91: {  	[sflag:s13] =	ssyncadd.s32 $0xFFFFE700  }
0x92: {  	_ =	swait.ge [sflag:s14], $0x1900  }
0x93: {  	[sflag:s14] =	ssyncset.done $0x0  }
0x94: {  	[sflag:s14] =	ssyncadd.s32 $0xFFFFE700  }
0x95: {  	[spmem:s4] =	stream.indirect.scatter.add.f32 [tilespmem:s2], [sflag:$0x8], $0x1, s31, s11, $0xb8;
	[tilespmem:$0x1C600] =	vst v63  }
.Ltmp1:
0x96: {  	_ =	swait.ge [sflag:s12], $0x1900;
	(pc) =	sbr.rel @p1 .LBB2_4-.Ltmp1, $4  }
0x97: {  	[sflag:s12] =	ssyncset.done $0x0  }
0x98: {  	s6 =	sadd.s32 s10, s24;
	[sflag:s12] =	ssyncadd.s32 $0xFFFFE700  }
0x99: {  	[tilespmem:s31], [sflag:$0x2] =	stream.linear.gather [hbm4b:s6+s5], $0x1900, $0x38;
	[tilespmem:$0x1C600] =	vst v63  }
0x9a: {  	s28 =	sadd.s32 $0x3200, s28;
	s10 =	sadd.s32 s10, s23  }
0x9b: {  	[tilespmem:s2], [sflag:$0x4] =	stream.linear.gather [hbm4b:s10+s5], $0x1900, $0x38;
	[tilespmem:$0x1C600] =	vst v63  }
0x9c: {  	_ =	swait.ge [sflag:s8], $0x1900  }
0x9d: {  	[sflag:s8] =	ssyncset.done $0x0  }
0x9e: {  	[sflag:s8] =	ssyncadd.s32 $0xFFFFE700  }
0x9f: {  	_ =	swait.ge [sflag:s9], $0x1900  }
0xa0: {  	[sflag:s9] =	ssyncset.done $0x0  }
0xa1: {  	[sflag:s9] =	ssyncadd.s32 $0xFFFFE700  }
0xa2: {  	[spmem:s4] =	stream.indirect.scatter.add.f32 [tilespmem:s30], [sflag:$0x8], $0x1, s29, s11, $0xb8;
	[tilespmem:$0x1C600] =	vst v63  }
0xa3: {  	_ =	swait.ge [sflag:s12], $0x1900  }
0xa4: {  	[sflag:s12] =	ssyncset.done $0x0  }
0xa5: {  	[sflag:s12] =	ssyncadd.s32 $0xFFFFE700  }
0xa6: {  	_ =	swait.ge [sflag:s13], $0x1900  }
0xa7: {  	[sflag:s13] =	ssyncset.done $0x0  }
0xa8: {  	[sflag:s13] =	ssyncadd.s32 $0xFFFFE700  }
0xa9: {  	_ =	swait.ge [sflag:s14], $0x1900  }
0xaa: {  	[sflag:s14] =	ssyncset.done $0x0  }
0xab: {  	[sflag:s14] =	ssyncadd.s32 $0xFFFFE700  }
0xac: {  	[spmem:s4] =	stream.indirect.scatter.add.f32 [tilespmem:s2], [sflag:$0x8], $0x1, s31, s11, $0xb8;
	[tilespmem:$0x1C600] =	vst v63  }
0xad: {  	_ =	swait.ge [sflag:s12], $0x1900  }
0xae: {  	[sflag:s12] =	ssyncset.done $0x0  }
0xaf: {  	s6 =	sadd.s32 $0x0, s22;
	[sflag:s12] =	ssyncadd.s32 $0xFFFFE700  }
0xb0: {  	s26 =	sadd.s32 $0x320, s6;
	[bflag:$0x0] =	sbarrier.arrive $0xFFFF  }
0xb1: {  	[tilespmem:s15], [sflag:$0x7] =	stream.linear.gather [hbm4b:s26+s5], $0x1900, $0x38;
	[tilespmem:$0x1C600] =	vst v63  }
0xb2: {  	_ =	swait.ge [sflag:s16], $0x1900  }
0xb3: {  	[sflag:s16] =	ssyncset.done $0x0  }
0xb4: {  	[sflag:s16] =	ssyncadd.s32 $0xFFFFE700  }
0xb5: {  	[tilespmem:s17], [sflag:$0x9] =	stream.indirect.gather [spmem:s4], $0x1, s3, s11, $0xb8;
	[tilespmem:$0x1C600] =	vst v63  }
0xb6: {  	_ =	swait.ge [sflag:s18], $0x1900  }
0xb7: {  	[sflag:s18] =	ssyncset.done $0x0  }
0xb8: {  	s25 =	sadd.s32 $0x0, s21;
	[sflag:s18] =	ssyncadd.s32 $0xFFFFE700  }
0xb9: {  	[hbm4b:s25+s5] =	stream.linear.scatter [tilespmem:s17], [sflag:$0x9], $0x1900, $0x38;
	[tilespmem:$0x1C600] =	vst v63  }
0xba: {  	_ =	swait.ge [sflag:s18], $0x1900  }
0xbb: {  	[sflag:s18] =	ssyncset.done $0x0  }
0xbc: {  	s6 =	sadd.s32 $0x640, s6;
	[sflag:s18] =	ssyncadd.s32 $0xFFFFE700  }
0xbd: {  	[tilespmem:s3], [sflag:$0x6] =	stream.linear.gather [hbm4b:s6+s5], $0x1900, $0x38;
	[tilespmem:$0x1C600] =	vst v63  }
0xbe: {  	_ =	swait.ge [sflag:s19], $0x1900  }
0xbf: {  	[sflag:s19] =	ssyncset.done $0x0  }
0xc0: {  	[sflag:s19] =	ssyncadd.s32 $0xFFFFE700  }
0xc1: {  	[tilespmem:s17], [sflag:$0x9] =	stream.indirect.gather [spmem:s4], $0x1, s15, s11, $0xb8;
	[tilespmem:$0x1C600] =	vst v63  }
0xc2: {  	_ =	swait.ge [sflag:s18], $0x1900  }
0xc3: {  	s26 =	simm.s32 $0x9;
	[sflag:s18] =	ssyncset.done $0x0  }
0xc4: {  	s26 =	simm.s32 @!p0 $0x8;
	s25 =	sadd.s32 $0x320, s25;
	[sflag:s18] =	ssyncadd.s32 $0xFFFFE700  }
0xc5: {  	[hbm4b:s25+s5] =	stream.linear.scatter [tilespmem:s17], [sflag:s26], $0x1900, $0x38;
	[tilespmem:$0x1C600] =	vst v63  }
0xc6: {  	_ =	swait.ge [sflag:s26], $0x1900  }
0xc7: {  	s28 =	simm.s32 $0x640;
	[sflag:s26] =	ssyncset.done $0x0  }
.LBB2_6:
0xc8: {  	p1 =	sne.s32 s28, $0xC80  }
0xc9: {  	[sflag:s26] =	ssyncadd.s32 $0xFFFFE700;
	s6 =	smov.u32 s28;
	s28 =	sadd.s32 $0x640, s28  }
0xca: {  	s10 =	sadd.s32 s6, s22  }
0xcb: {  	s25 =	sadd.s32 $0x320, s10  }
0xcc: {  	[tilespmem:s15], [sflag:$0x7] =	stream.linear.gather [hbm4b:s25+s5], $0x1900, $0x38;
	[tilespmem:$0x1C600] =	vst v63  }
0xcd: {  	_ =	swait.ge [sflag:s16], $0x1900  }
0xce: {  	[sflag:s16] =	ssyncset.done $0x0  }
0xcf: {  	[sflag:s16] =	ssyncadd.s32 $0xFFFFE700  }
0xd0: {  	[tilespmem:s17], [sflag:$0x9] =	stream.indirect.gather [spmem:s4], $0x1, s3, s11, $0xb8;
	[tilespmem:$0x1C600] =	vst v63  }
0xd1: {  	_ =	swait.ge [sflag:s18], $0x1900  }
0xd2: {  	[sflag:s18] =	ssyncset.done $0x0  }
0xd3: {  	s6 =	sadd.s32 s6, s21;
	[sflag:s18] =	ssyncadd.s32 $0xFFFFE700  }
0xd4: {  	[hbm4b:s6+s5] =	stream.linear.scatter [tilespmem:s17], [sflag:$0x9], $0x1900, $0x38;
	[tilespmem:$0x1C600] =	vst v63  }
0xd5: {  	_ =	swait.ge [sflag:s18], $0x1900  }
0xd6: {  	[sflag:s18] =	ssyncset.done $0x0  }
0xd7: {  	s10 =	sadd.s32 $0x640, s10;
	[sflag:s18] =	ssyncadd.s32 $0xFFFFE700  }
0xd8: {  	[tilespmem:s3], [sflag:$0x6] =	stream.linear.gather [hbm4b:s10+s5], $0x1900, $0x38;
	[tilespmem:$0x1C600] =	vst v63  }
0xd9: {  	_ =	swait.ge [sflag:s19], $0x1900  }
0xda: {  	[sflag:s19] =	ssyncset.done $0x0  }
0xdb: {  	[sflag:s19] =	ssyncadd.s32 $0xFFFFE700  }
0xdc: {  	[tilespmem:s17], [sflag:$0x9] =	stream.indirect.gather [spmem:s4], $0x1, s15, s11, $0xb8;
	[tilespmem:$0x1C600] =	vst v63  }
0xdd: {  	_ =	swait.ge [sflag:s18], $0x1900  }
.Ltmp2:
0xde: {  	[sflag:s18] =	ssyncset.done $0x0;
	(pc) =	sbr.rel @p1 .LBB2_6-.Ltmp2, $4  }
0xdf: {  	s6 =	sadd.s32 $0x320, s6;
	[sflag:s18] =	ssyncadd.s32 $0xFFFFE700  }
0xe0: {  	[hbm4b:s6+s5] =	stream.linear.scatter [tilespmem:s17], [sflag:s26], $0x1900, $0x38;
	[tilespmem:$0x1C600] =	vst v63  }
0xe1: {  	_ =	swait.ge [sflag:s26], $0x1900  }
0xe2: {  	[sflag:s26] =	ssyncset.done $0x0  }
0xe3: {  	[sflag:s26] =	ssyncadd.s32 $0xFFFFE700;
	s6 =	rddreg [dreg:$0x12]  }
0xe4: {  	[tilespmem:s15], [sflag:$0x7] =	stream.linear.gather [hbm4b:s6+s5], $0x1900, $0x38;
	[tilespmem:$0x1C600] =	vst v63  }
0xe5: {  	_ =	swait.ge [sflag:s16], $0x1900  }
0xe6: {  	[sflag:s16] =	ssyncset.done $0x0  }
0xe7: {  	[sflag:s16] =	ssyncadd.s32 $0xFFFFE700  }
0xe8: {  	[tilespmem:s17], [sflag:$0x9] =	stream.indirect.gather [spmem:s4], $0x1, s3, s11, $0xb8;
	[tilespmem:$0x1C600] =	vst v63  }
0xe9: {  	_ =	swait.ge [sflag:s18], $0x1900  }
0xea: {  	[sflag:s18] =	ssyncset.done $0x0  }
0xeb: {  	s10 =	rddreg [dreg:$0x13];
	[sflag:s18] =	ssyncadd.s32 $0xFFFFE700  }
0xec: {  	[hbm4b:s10+s5] =	stream.linear.scatter [tilespmem:s17], [sflag:$0x9], $0x1900, $0x38;
	[tilespmem:$0x1C600] =	vst v63  }
0xed: {  	_ =	swait.ge [sflag:s18], $0x1900  }
0xee: {  	[sflag:s18] =	ssyncset.done $0x0  }
0xef: {  	[sflag:s18] =	ssyncadd.s32 $0xFFFFE700  }
0xf0: {  	_ =	swait.ge [sflag:s19], $0x1900  }
0xf1: {  	[sflag:s19] =	ssyncset.done $0x0  }
0xf2: {  	[sflag:s19] =	ssyncadd.s32 $0xFFFFE700  }
0xf3: {  	[tilespmem:s17], [sflag:$0x9] =	stream.indirect.gather [spmem:s4], $0x1, s15, s11, $0xb8;
	[tilespmem:$0x1C600] =	vst v63  }
0xf4: {  	_ =	swait.ge [sflag:s18], $0x1900  }
0xf5: {  	[sflag:s18] =	ssyncset.done $0x0  }
0xf6: {  	s25 =	rddreg [dreg:$0x14];
	[sflag:s18] =	ssyncadd.s32 $0xFFFFE700  }
0xf7: {  	[hbm4b:s25+s5] =	stream.linear.scatter [tilespmem:s17], [sflag:s26], $0x1900, $0x38;
	[tilespmem:$0x1C600] =	vst v63  }
0xf8: {  	_ =	swait.ge [sflag:s26], $0x1900  }
0xf9: {  	s20 =	sadd.s32 $0x1, s20;
	s28 =	rddreg [dreg:$0x11]  }
0xfa: {  	p1 =	sne.s32 s20, s28  }
.Ltmp3:
0xfb: {  	_ = 	snop;
	(pc) =	sbr.rel @p1 .LBB2_1-.Ltmp3, $3  }
0xfc: {  	_ =	sdelay $0x1  }
0xfd: {  	[sflag:s26] =	ssyncset.done $0x0  }
0xfe: {  	[sflag:s26] =	ssyncadd.s32 $0xFFFFE700  }
0xff: {  	_ =	sfence.sel $0x180000  }
0x100: {  	[bflag:$0x0] =	sbarrier.arrive $0xFFFF  }
0x101: {  	_ =	strace $0x90000047  }
0x102: {  	s0 =	stileid.u32;
	[bflag:$0x2] =	sbarrier.arrive $0xFFFF  }
0x103: {  	p0 =	sne.s32 s0, $0x0;
	s0 =	rddreg [dreg:$0x5]  }
0x104: {  	s0 =	sadd.s32 @!p0 $0x100000, s0  }
0x105: {  	[sflag:s0] =	ssyncadd.tile.s32 @!p0 $0x1;
	_ =	shalt  }
.Lfunc_end2:
_tile_overlayer_lowered:
.L_overlay_start_2:
0x106: {  	(tag) =	ssettag $0x2  }
0x107: {  	s0 =	rddreg [dreg:$0x0];
	s2 =	stileid.u32  }
0x108: {  	s1 =	rddreg [dreg:$0x1];
	p0 =	sne.s32 s2, $0x0  }
0x109: {  	s3 =	rddreg [dreg:$0x2];
	[bflag:$0x3] =	sbarrier.arrive $0xFFFF;
	s2 =	simm.s32 @!p0 $0x1C08  }
0x10a: {  	[timem:s3], [sflag:s2] =	dma.local @!p0 [hbm:s0], s1  }
0x10b: {  	s0 =	simm.s32 @!p0 $0x8  }
0x10c: {  	_ =	swait.ge @!p0 [sflag:s0], s1  }
0x10d: {  	s1 =	ssub.s32 @!p0 $0x0, s1;
	[sflag:s0] =	ssyncset.done @!p0 $0x0  }
0x10e: {  	[sflag:s0] =	ssyncadd.s32 @!p0 s1  }
0x10f: {  	[bflag:$0x3] =	sbarrier.arrive $0xFFFF  }
0x110: {  	_ =	shalt  }

</sc_bundles>
